<compile_context>
chip_gen: v7x
topology: tpu7x:2x2x1
jax: 0.10.2.dev20260603
libtpu: 0.0.44.dev20260713+nightly
codegen_flags: <defaults>
</compile_context>

<pallas_src>
import functools

import jax
import jax.numpy as jnp
from jax import lax
from jax.experimental import pallas as pl
from jax.experimental.pallas import tpu as pltpu
from jax.experimental.pallas import tpu_sc as plsc

_L = 16


def _lse2(a, b):
    m = jnp.maximum(a, b)
    t = jnp.exp(-jnp.abs(a - b))
    s = 1.0 + t
    y = t * (1.0 + t * (-0.5 + t * (1.0 / 3.0 - 0.25 * t)))
    y = y + s * jnp.exp(-y) - 1.0
    y = y + s * jnp.exp(-y) - 1.0
    y = y + s * jnp.exp(-y) - 1.0
    return m + y


def _body(lp_hbm, lev0_hbm, lev1_hbm, lit_hbm, ni_hbm, m0_hbm, out_hbm,
          lp_v, lev0_v, lev1_v, lit_v, ni_v, m0_v, data_v, out_v, sem):
    pred = (lax.axis_index("c") == 0) & (lax.axis_index("s") == 0)

    @pl.when(pred)
    def _():
        copies = [
            pltpu.make_async_copy(lp_hbm, lp_v, sem),
            pltpu.make_async_copy(lev0_hbm, lev0_v, sem),
            pltpu.make_async_copy(lev1_hbm, lev1_v, sem),
            pltpu.make_async_copy(lit_hbm, lit_v, sem),
            pltpu.make_async_copy(ni_hbm, ni_v, sem),
            pltpu.make_async_copy(m0_hbm, m0_v, sem),
        ]
        for c in copies:
            c.start()
        for c in copies:
            c.wait()

        iota = lax.iota(jnp.int32, _L)
        zero = jnp.zeros((_L,), jnp.float32)

        lit_all = plsc.load_gather(lit_v, [jnp.minimum(iota, 5)])
        m0_all = jnp.clip(plsc.load_gather(m0_v, [jnp.minimum(iota, 5)]),
                          0, 2)
        lev0_all = plsc.load_gather(lev0_v, [jnp.minimum(iota, 1)])
        lev1_all = plsc.load_gather(lev1_v, [jnp.minimum(iota, 0)])

        def lane_v(v, idx):
            return jnp.take_along_axis(v, idx, axis=0)

        def lane(v, i):
            return lane_v(v, jnp.full((_L,), i, jnp.int32))

        for r in range(9):
            data_v[r, :] = zero
        data_v[9, :] = jnp.full((_L,), -1000.0, jnp.float32)

        lit_g = jnp.minimum(iota // 5, 3)
        lit_c = iota - 5 * (iota // 5)
        lit_msk = iota < 15
        for b in (0, 1):
            sel = jnp.minimum(lit_g + 3 * b, 5)
            m0_l = lane_v(m0_all, sel)
            rows = plsc.load_gather(lp_v, [jnp.minimum(lit_c, 4), m0_l])
            li_l = jnp.clip(lane_v(lit_all, sel), 0, 9)
            plsc.store_scatter(data_v, [li_l, lit_c], rows, mask=lit_msk)

        grp = iota >> 3
        col8 = jnp.minimum(iota & 7, 4)
        lg2 = jnp.clip(lane_v(lev0_all, jnp.minimum(grp, 1)), 0, 8)
        sums = []
        for k0 in (0, 1):
            pair = []
            for k1 in (0, 1):
                idx = plsc.load_gather(
                    ni_v, [lg2, jnp.full((_L,), k0, jnp.int32),
                           jnp.full((_L,), k1, jnp.int32)])
                idx = jnp.clip(idx, 0, 9)
                pair.append(plsc.load_gather(data_v, [idx, col8]))
            sums.append(pair[0] + pair[1])
        lse0 = _lse2(sums[0], sums[1])
        cs = plsc.cumsum(jnp.where((iota & 7) < 5, lse0 * 0.2, 0.0))
        cs4 = lane(cs, 4)
        csel = lane_v(cs, grp * 8 + 4)
        mean2 = csel - jnp.where(grp == 0, 0.0, cs4)
        row0 = jnp.clip(lane_v(lev0_all, jnp.minimum(grp, 1)), 0, 9)
        plsc.store_scatter(data_v, [row0, col8], mean2)

        lg1 = jnp.clip(lane(lev1_all, 0), 0, 8)
        i4 = jnp.minimum(iota, 3)
        ni4 = jnp.clip(plsc.load_gather(ni_v, [lg1, i4 >> 1, i4 & 1]), 0, 9)
        s0 = (plsc.load_gather(data_v, [lane(ni4, 0), iota])
              + plsc.load_gather(data_v, [lane(ni4, 1), iota]))
        s1 = (plsc.load_gather(data_v, [lane(ni4, 2), iota])
              + plsc.load_gather(data_v, [lane(ni4, 3), iota]))
        out_v[...] = _lse2(s0, s1)
        pltpu.sync_copy(out_v, out_hbm)


@functools.cache
def _sc_call():
    mesh = plsc.VectorSubcoreMesh(core_axis_name="c", subcore_axis_name="s",
                                  num_cores=1, num_subcores=1)
    return pl.kernel(
        _body,
        out_type=jax.ShapeDtypeStruct((_L,), jnp.float32),
        mesh=mesh,
        compiler_params=pltpu.CompilerParams(needs_layout_passes=False),
        scratch_types=[
            pltpu.VMEM((5, 3), jnp.float32),
            pltpu.VMEM((2,), jnp.int32),
            pltpu.VMEM((1,), jnp.int32),
            pltpu.VMEM((6,), jnp.int32),
            pltpu.VMEM((9, 2, 2), jnp.int32),
            pltpu.VMEM((6,), jnp.int32),
            pltpu.VMEM((10, _L), jnp.float32),
            pltpu.VMEM((_L,), jnp.float32),
            pltpu.SemaphoreType.DMA,
        ],
    )


def kernel(log_probs, levels0, levels1, lit_indices, node_indices,
           lit_mask0, lit_mask1):
    del lit_mask1
    out = _sc_call()(log_probs, levels0, levels1, lit_indices, node_indices,
                     lit_mask0)
    return out[:5].reshape(1, 5)

# --- scband reference (transcript-rebuilt; emitter-appended) ---
"""Pipeline reference for scband-my-model-61933428411467 (READ-ONLY COPY).

The authoritative reference and input builder live on the scoring server;
editing this copy changes nothing except your own understanding.
"""

import jax, jax.numpy as jnp
import numpy as np


def setup_inputs(seed: int = 0) -> dict:
    key = jax.random.key(seed)
    log_probs = jax.random.normal(key, (5, 3), dtype=jnp.float32)
    levels0 = jnp.array([5, 7], dtype=jnp.int32)
    levels1 = jnp.array([8], dtype=jnp.int32)
    lit_indices = jnp.array([0, 1, 2, 3, 4, 6], dtype=jnp.int32)
    node_indices = jnp.array([
        [[0, 0], [0, 0]], [[0, 0], [0, 0]], [[0, 0], [0, 0]],
        [[0, 0], [0, 0]], [[0, 0], [0, 0]], [[1, 2], [3, 4]],
        [[0, 0], [0, 0]], [[1, 4], [9, 9]], [[0, 5], [6, 7]]
    ], dtype=jnp.int32)
    lit_mask0 = jnp.array([0, 1, 2, 1, 2, 0], dtype=jnp.int32)
    lit_mask1 = jnp.array([1, 1, 0, 0, 1, 0], dtype=jnp.int32)
    return {
        "log_probs": log_probs,
        "levels0": levels0,
        "levels1": levels1,
        "lit_indices": lit_indices,
        "node_indices": node_indices,
        "lit_mask0": lit_mask0,
        "lit_mask1": lit_mask1,
    }


def reference(log_probs, levels0, levels1, lit_indices, node_indices, lit_mask0, lit_mask1):
    # lit_weights: [B, V] -> stack to [B, V, 2] -> permute to [V, 2, B]
    lit_weights = jnp.transpose(jnp.stack((log_probs, log_probs), axis=-1), (1, 2, 0))
    id_val = 9
    data = jnp.zeros((id_val + 1, 5), dtype=log_probs.dtype)
    data = data.at[id_val].set(-1000.0)
    # scatter-overwrite literal rows: lit_weights[lit_mask0, lit_mask1] -> [6, 5]
    data = data.at[lit_indices].set(lit_weights[lit_mask0, lit_mask1])
    # level 0 evaluation
    indices_0 = node_indices[levels0]            # [2, 2, 2]
    selected_data = data[indices_0]              # [2, 2, 2, 5] gather
    summed_0 = selected_data.sum(axis=-2)        # [2, 2, 5]
    result_0 = jax.scipy.special.logsumexp(summed_0, axis=-2)  # [2, 5]
    result_0 = result_0.reshape(result_0.shape[0], -1).mean(axis=1, keepdims=True)
    result_0 = jnp.broadcast_to(result_0, (result_0.shape[0], 5))
    data = data.at[levels0].set(result_0)
    # level 1 evaluation
    indices_1 = node_indices[levels1]            # [1, 2, 2]
    selected_data1 = data[indices_1]             # [1, 2, 2, 5]
    summed_1 = selected_data1.sum(axis=-2)       # [1, 2, 5]
    result_1 = jax.scipy.special.logsumexp(summed_1, axis=-2)  # [1, 5]
    result_1 = result_1.reshape(1, 5)
    data = data.at[levels1].set(result_1)
    return data[levels1]                          # [1, 5]

if __name__ == "__main__":
    import jax
    _d = setup_inputs()
    print(jax.jit(kernel)(*tuple(_d.values())))

</pallas_src>

<mosaic_0001>
#map = affine_map<(d0, d1) -> (0, 0)>
#map1 = affine_map<(d0, d1) -> (0)>
#map2 = affine_map<(d0, d1) -> (0, 0, 0)>
module attributes {stable_mosaic.version = 14 : i64} {
  func.func @_body(%arg0: i32, %arg1: i32, %arg2: memref<5x3xf32, #tpu.memory_space<hbm>>, %arg3: memref<2xi32, #tpu.memory_space<hbm>>, %arg4: memref<1xi32, #tpu.memory_space<hbm>>, %arg5: memref<6xi32, #tpu.memory_space<hbm>>, %arg6: memref<9x2x2xi32, #tpu.memory_space<hbm>>, %arg7: memref<6xi32, #tpu.memory_space<hbm>>, %arg8: memref<16xf32, #tpu.memory_space<hbm>>, %arg9: memref<5x3xf32, #tpu.memory_space<vmem>>, %arg10: memref<2xi32, #tpu.memory_space<vmem>>, %arg11: memref<1xi32, #tpu.memory_space<vmem>>, %arg12: memref<6xi32, #tpu.memory_space<vmem>>, %arg13: memref<9x2x2xi32, #tpu.memory_space<vmem>>, %arg14: memref<6xi32, #tpu.memory_space<vmem>>, %arg15: memref<10x16xf32, #tpu.memory_space<vmem>>, %arg16: memref<16xf32, #tpu.memory_space<vmem>>, %arg17: memref<!tpu.dma_semaphore, #tpu.memory_space<semaphore_mem>>) attributes {dimension_semantics = [#tpu.dimension_semantics<core_parallel>, #tpu.dimension_semantics<subcore_parallel>], iteration_bounds = array<i64: 1, 1>, scalar_prefetch = 0 : i64, scratch_operands = 9 : i64, tpu.core_type = #tpu.core_type<sc_vector_subcore>, window_params = [{transform_indices = #map}, {transform_indices = #map1}, {transform_indices = #map1}, {transform_indices = #map1}, {transform_indices = #map2}, {transform_indices = #map1}, {transform_indices = #map1}]} {
    %eq3A = arith.constant 0 : i32
    %eq3A_0 = arith.cmpi eq, %arg0, %eq3A : i32
    %eq3A_1 = arith.constant 0 : i32
    %eq3A_2 = arith.cmpi eq, %arg1, %eq3A_1 : i32
    %and3A = arith.andi %eq3A_0, %eq3A_2 : i1
    %convert_element_type3A = arith.extui %and3A : i1 to i32
    %cond3A = arith.constant 0 : i32
    %cond3A_3 = arith.cmpi ne, %convert_element_type3A, %cond3A : i32
    scf.if %cond3A_3 {
      tpu.enqueue_dma source(%arg2 : memref<5x3xf32, #tpu.memory_space<hbm>>) target(%arg9 : memref<5x3xf32, #tpu.memory_space<vmem>>) target_semaphore(%arg17 : memref<!tpu.dma_semaphore, #tpu.memory_space<semaphore_mem>>)
      tpu.enqueue_dma source(%arg3 : memref<2xi32, #tpu.memory_space<hbm>>) target(%arg10 : memref<2xi32, #tpu.memory_space<vmem>>) target_semaphore(%arg17 : memref<!tpu.dma_semaphore, #tpu.memory_space<semaphore_mem>>)
      tpu.enqueue_dma source(%arg4 : memref<1xi32, #tpu.memory_space<hbm>>) target(%arg11 : memref<1xi32, #tpu.memory_space<vmem>>) target_semaphore(%arg17 : memref<!tpu.dma_semaphore, #tpu.memory_space<semaphore_mem>>)
      tpu.enqueue_dma source(%arg5 : memref<6xi32, #tpu.memory_space<hbm>>) target(%arg12 : memref<6xi32, #tpu.memory_space<vmem>>) target_semaphore(%arg17 : memref<!tpu.dma_semaphore, #tpu.memory_space<semaphore_mem>>)
      tpu.enqueue_dma source(%arg6 : memref<9x2x2xi32, #tpu.memory_space<hbm>>) target(%arg13 : memref<9x2x2xi32, #tpu.memory_space<vmem>>) target_semaphore(%arg17 : memref<!tpu.dma_semaphore, #tpu.memory_space<semaphore_mem>>)
      tpu.enqueue_dma source(%arg7 : memref<6xi32, #tpu.memory_space<hbm>>) target(%arg14 : memref<6xi32, #tpu.memory_space<vmem>>) target_semaphore(%arg17 : memref<!tpu.dma_semaphore, #tpu.memory_space<semaphore_mem>>)
      tpu.wait_dma2 semaphore(%arg17 : memref<!tpu.dma_semaphore, #tpu.memory_space<semaphore_mem>>) src(%arg2 : memref<5x3xf32, #tpu.memory_space<hbm>>) dst(%arg9 : memref<5x3xf32, #tpu.memory_space<vmem>>)
      tpu.wait_dma2 semaphore(%arg17 : memref<!tpu.dma_semaphore, #tpu.memory_space<semaphore_mem>>) src(%arg3 : memref<2xi32, #tpu.memory_space<hbm>>) dst(%arg10 : memref<2xi32, #tpu.memory_space<vmem>>)
      tpu.wait_dma2 semaphore(%arg17 : memref<!tpu.dma_semaphore, #tpu.memory_space<semaphore_mem>>) src(%arg4 : memref<1xi32, #tpu.memory_space<hbm>>) dst(%arg11 : memref<1xi32, #tpu.memory_space<vmem>>)
      tpu.wait_dma2 semaphore(%arg17 : memref<!tpu.dma_semaphore, #tpu.memory_space<semaphore_mem>>) src(%arg5 : memref<6xi32, #tpu.memory_space<hbm>>) dst(%arg12 : memref<6xi32, #tpu.memory_space<vmem>>)
      tpu.wait_dma2 semaphore(%arg17 : memref<!tpu.dma_semaphore, #tpu.memory_space<semaphore_mem>>) src(%arg6 : memref<9x2x2xi32, #tpu.memory_space<hbm>>) dst(%arg13 : memref<9x2x2xi32, #tpu.memory_space<vmem>>)
      tpu.wait_dma2 semaphore(%arg17 : memref<!tpu.dma_semaphore, #tpu.memory_space<semaphore_mem>>) src(%arg7 : memref<6xi32, #tpu.memory_space<hbm>>) dst(%arg14 : memref<6xi32, #tpu.memory_space<vmem>>)
      %iota3A = tpu.iota {dimensions = array<i32: 0>} : vector<16xi32>
      %broadcast_in_dim3A = arith.constant 0.000000e+00 : f32
      %broadcast_in_dim3A_4 = vector.broadcast %broadcast_in_dim3A : f32 to vector<16xf32>
      %min3A = arith.constant 5 : i32
      %min3A_5 = vector.broadcast %min3A : i32 to vector<16xi32>
      %min3A_6 = arith.minsi %iota3A, %min3A_5 : vector<16xi32>
      %gather3A = tpu.vector_load_idx %arg12[%min3A_6] : memref<6xi32, #tpu.memory_space<vmem>>[vector<16xi32>], vector<16xi32>,
      %min3A_7 = arith.constant 5 : i32
      %min3A_8 = vector.broadcast %min3A_7 : i32 to vector<16xi32>
      %min3A_9 = arith.minsi %iota3A, %min3A_8 : vector<16xi32>
      %gather3A_10 = tpu.vector_load_idx %arg14[%min3A_9] : memref<6xi32, #tpu.memory_space<vmem>>[vector<16xi32>], vector<16xi32>,
      %jit3A = arith.constant 0 : i32
      %jit3A_11 = arith.constant 2 : i32
      %max3A = vector.broadcast %jit3A : i32 to vector<16xi32>
      %max3A_12 = arith.maxsi %max3A, %gather3A_10 : vector<16xi32>
      %min3A_13 = vector.broadcast %jit3A_11 : i32 to vector<16xi32>
      %min3A_14 = arith.minsi %min3A_13, %max3A_12 : vector<16xi32>
      %min3A_15 = arith.constant 1 : i32
      %min3A_16 = vector.broadcast %min3A_15 : i32 to vector<16xi32>
      %min3A_17 = arith.minsi %iota3A, %min3A_16 : vector<16xi32>
      %gather3A_18 = tpu.vector_load_idx %arg10[%min3A_17] : memref<2xi32, #tpu.memory_space<vmem>>[vector<16xi32>], vector<16xi32>,
      %min3A_19 = arith.constant 0 : i32
      %min3A_20 = vector.broadcast %min3A_19 : i32 to vector<16xi32>
      %min3A_21 = arith.minsi %iota3A, %min3A_20 : vector<16xi32>
      %gather3A_22 = tpu.vector_load_idx %arg11[%min3A_21] : memref<1xi32, #tpu.memory_space<vmem>>[vector<16xi32>], vector<16xi32>,
      %swap3A = arith.constant 0 : i32
      %swap3A_23 = arith.index_cast %swap3A : i32 to index
      %swap3A_24 = arith.constant 0 : index
      %swap3A_25 = tpu.vector_load %arg15[%swap3A_23, %swap3A_24] {strides = array<i32>} : memref<10x16xf32, #tpu.memory_space<vmem>>, vector<16xf32>,
      tpu.vector_store %arg15[%swap3A_23, %swap3A_24], %broadcast_in_dim3A_4 {strides = array<i32>} : memref<10x16xf32, #tpu.memory_space<vmem>>, vector<16xf32>,
      %swap3A_26 = arith.constant 1 : i32
      %swap3A_27 = arith.index_cast %swap3A_26 : i32 to index
      %swap3A_28 = arith.constant 0 : index
      %swap3A_29 = tpu.vector_load %arg15[%swap3A_27, %swap3A_28] {strides = array<i32>} : memref<10x16xf32, #tpu.memory_space<vmem>>, vector<16xf32>,
      tpu.vector_store %arg15[%swap3A_27, %swap3A_28], %broadcast_in_dim3A_4 {strides = array<i32>} : memref<10x16xf32, #tpu.memory_space<vmem>>, vector<16xf32>,
      %swap3A_30 = arith.constant 2 : i32
      %swap3A_31 = arith.index_cast %swap3A_30 : i32 to index
      %swap3A_32 = arith.constant 0 : index
      %swap3A_33 = tpu.vector_load %arg15[%swap3A_31, %swap3A_32] {strides = array<i32>} : memref<10x16xf32, #tpu.memory_space<vmem>>, vector<16xf32>,
      tpu.vector_store %arg15[%swap3A_31, %swap3A_32], %broadcast_in_dim3A_4 {strides = array<i32>} : memref<10x16xf32, #tpu.memory_space<vmem>>, vector<16xf32>,
      %swap3A_34 = arith.constant 3 : i32
      %swap3A_35 = arith.index_cast %swap3A_34 : i32 to index
      %swap3A_36 = arith.constant 0 : index
      %swap3A_37 = tpu.vector_load %arg15[%swap3A_35, %swap3A_36] {strides = array<i32>} : memref<10x16xf32, #tpu.memory_space<vmem>>, vector<16xf32>,
      tpu.vector_store %arg15[%swap3A_35, %swap3A_36], %broadcast_in_dim3A_4 {strides = array<i32>} : memref<10x16xf32, #tpu.memory_space<vmem>>, vector<16xf32>,
      %swap3A_38 = arith.constant 4 : i32
      %swap3A_39 = arith.index_cast %swap3A_38 : i32 to index
      %swap3A_40 = arith.constant 0 : index
      %swap3A_41 = tpu.vector_load %arg15[%swap3A_39, %swap3A_40] {strides = array<i32>} : memref<10x16xf32, #tpu.memory_space<vmem>>, vector<16xf32>,
      tpu.vector_store %arg15[%swap3A_39, %swap3A_40], %broadcast_in_dim3A_4 {strides = array<i32>} : memref<10x16xf32, #tpu.memory_space<vmem>>, vector<16xf32>,
      %swap3A_42 = arith.constant 5 : i32
      %swap3A_43 = arith.index_cast %swap3A_42 : i32 to index
      %swap3A_44 = arith.constant 0 : index
      %swap3A_45 = tpu.vector_load %arg15[%swap3A_43, %swap3A_44] {strides = array<i32>} : memref<10x16xf32, #tpu.memory_space<vmem>>, vector<16xf32>,
      tpu.vector_store %arg15[%swap3A_43, %swap3A_44], %broadcast_in_dim3A_4 {strides = array<i32>} : memref<10x16xf32, #tpu.memory_space<vmem>>, vector<16xf32>,
      %swap3A_46 = arith.constant 6 : i32
      %swap3A_47 = arith.index_cast %swap3A_46 : i32 to index
      %swap3A_48 = arith.constant 0 : index
      %swap3A_49 = tpu.vector_load %arg15[%swap3A_47, %swap3A_48] {strides = array<i32>} : memref<10x16xf32, #tpu.memory_space<vmem>>, vector<16xf32>,
      tpu.vector_store %arg15[%swap3A_47, %swap3A_48], %broadcast_in_dim3A_4 {strides = array<i32>} : memref<10x16xf32, #tpu.memory_space<vmem>>, vector<16xf32>,
      %swap3A_50 = arith.constant 7 : i32
      %swap3A_51 = arith.index_cast %swap3A_50 : i32 to index
      %swap3A_52 = arith.constant 0 : index
      %swap3A_53 = tpu.vector_load %arg15[%swap3A_51, %swap3A_52] {strides = array<i32>} : memref<10x16xf32, #tpu.memory_space<vmem>>, vector<16xf32>,
      tpu.vector_store %arg15[%swap3A_51, %swap3A_52], %broadcast_in_dim3A_4 {strides = array<i32>} : memref<10x16xf32, #tpu.memory_space<vmem>>, vector<16xf32>,
      %swap3A_54 = arith.constant 8 : i32
      %swap3A_55 = arith.index_cast %swap3A_54 : i32 to index
      %swap3A_56 = arith.constant 0 : index
      %swap3A_57 = tpu.vector_load %arg15[%swap3A_55, %swap3A_56] {strides = array<i32>} : memref<10x16xf32, #tpu.memory_space<vmem>>, vector<16xf32>,
      tpu.vector_store %arg15[%swap3A_55, %swap3A_56], %broadcast_in_dim3A_4 {strides = array<i32>} : memref<10x16xf32, #tpu.memory_space<vmem>>, vector<16xf32>,
      %broadcast_in_dim3A_58 = arith.constant -1.000000e+03 : f32
      %broadcast_in_dim3A_59 = vector.broadcast %broadcast_in_dim3A_58 : f32 to vector<16xf32>
      %swap3A_60 = arith.constant 9 : i32
      %swap3A_61 = arith.index_cast %swap3A_60 : i32 to index
      %swap3A_62 = arith.constant 0 : index
      %swap3A_63 = tpu.vector_load %arg15[%swap3A_61, %swap3A_62] {strides = array<i32>} : memref<10x16xf32, #tpu.memory_space<vmem>>, vector<16xf32>,
      tpu.vector_store %arg15[%swap3A_61, %swap3A_62], %broadcast_in_dim3A_59 {strides = array<i32>} : memref<10x16xf32, #tpu.memory_space<vmem>>, vector<16xf32>,
      %jit3A_64 = arith.constant 5 : i32
      %div3A = vector.broadcast %jit3A_64 : i32 to vector<16xi32>
      %div3A_65 = arith.divsi %iota3A, %div3A : vector<16xi32>
      %sign3A = arith.constant 0 : i32
      %sign3A_66 = vector.broadcast %sign3A : i32 to vector<16xi32>
      %sign3A_67 = arith.cmpi sgt, %iota3A, %sign3A_66 : vector<16xi32>
      %sign3A_68 = arith.extui %sign3A_67 : vector<16xi1> to vector<16xi32>
      %sign3A_69 = arith.constant 0 : i32
      %sign3A_70 = vector.broadcast %sign3A_69 : i32 to vector<16xi32>
      %sign3A_71 = arith.cmpi slt, %iota3A, %sign3A_70 : vector<16xi32>
      %sign3A_72 = arith.extui %sign3A_71 : vector<16xi1> to vector<16xi32>
      %sign3A_73 = arith.subi %sign3A_68, %sign3A_72 : vector<16xi32>
      %sign3A_74 = arith.constant 0 : i32
      %sign3A_75 = arith.cmpi sgt, %jit3A_64, %sign3A_74 : i32
      %sign3A_76 = arith.extui %sign3A_75 : i1 to i32
      %sign3A_77 = arith.constant 0 : i32
      %sign3A_78 = arith.cmpi slt, %jit3A_64, %sign3A_77 : i32
      %sign3A_79 = arith.extui %sign3A_78 : i1 to i32
      %sign3A_80 = arith.subi %sign3A_76, %sign3A_79 : i32
      %ne3A = vector.broadcast %sign3A_80 : i32 to vector<16xi32>
      %ne3A_81 = arith.cmpi ne, %sign3A_73, %ne3A : vector<16xi32>
      %rem3A = vector.broadcast %jit3A_64 : i32 to vector<16xi32>
      %rem3A_82 = arith.remsi %iota3A, %rem3A : vector<16xi32>
      %ne3A_83 = arith.constant 0 : i32
      %ne3A_84 = vector.broadcast %ne3A_83 : i32 to vector<16xi32>
      %ne3A_85 = arith.cmpi ne, %rem3A_82, %ne3A_84 : vector<16xi32>
      %and3A_86 = arith.andi %ne3A_81, %ne3A_85 : vector<16xi1>
      %sub3A = arith.constant 1 : i32
      %sub3A_87 = vector.broadcast %sub3A : i32 to vector<16xi32>
      %sub3A_88 = arith.subi %div3A_65, %sub3A_87 : vector<16xi32>
      %select_n3A = arith.select %and3A_86, %sub3A_88, %div3A_65 : vector<16xi1>, vector<16xi32>
      %min3A_89 = arith.constant 3 : i32
      %min3A_90 = vector.broadcast %min3A_89 : i32 to vector<16xi32>
      %min3A_91 = arith.minsi %select_n3A, %min3A_90 : vector<16xi32>
      %jit3A_92 = arith.constant 5 : i32
      %div3A_93 = vector.broadcast %jit3A_92 : i32 to vector<16xi32>
      %div3A_94 = arith.divsi %iota3A, %div3A_93 : vector<16xi32>
      %sign3A_95 = arith.constant 0 : i32
      %sign3A_96 = vector.broadcast %sign3A_95 : i32 to vector<16xi32>
      %sign3A_97 = arith.cmpi sgt, %iota3A, %sign3A_96 : vector<16xi32>
      %sign3A_98 = arith.extui %sign3A_97 : vector<16xi1> to vector<16xi32>
      %sign3A_99 = arith.constant 0 : i32
      %sign3A_100 = vector.broadcast %sign3A_99 : i32 to vector<16xi32>
      %sign3A_101 = arith.cmpi slt, %iota3A, %sign3A_100 : vector<16xi32>
      %sign3A_102 = arith.extui %sign3A_101 : vector<16xi1> to vector<16xi32>
      %sign3A_103 = arith.subi %sign3A_98, %sign3A_102 : vector<16xi32>
      %sign3A_104 = arith.constant 0 : i32
      %sign3A_105 = arith.cmpi sgt, %jit3A_92, %sign3A_104 : i32
      %sign3A_106 = arith.extui %sign3A_105 : i1 to i32
      %sign3A_107 = arith.constant 0 : i32
      %sign3A_108 = arith.cmpi slt, %jit3A_92, %sign3A_107 : i32
      %sign3A_109 = arith.extui %sign3A_108 : i1 to i32
      %sign3A_110 = arith.subi %sign3A_106, %sign3A_109 : i32
      %ne3A_111 = vector.broadcast %sign3A_110 : i32 to vector<16xi32>
      %ne3A_112 = arith.cmpi ne, %sign3A_103, %ne3A_111 : vector<16xi32>
      %rem3A_113 = vector.broadcast %jit3A_92 : i32 to vector<16xi32>
      %rem3A_114 = arith.remsi %iota3A, %rem3A_113 : vector<16xi32>
      %ne3A_115 = arith.constant 0 : i32
      %ne3A_116 = vector.broadcast %ne3A_115 : i32 to vector<16xi32>
      %ne3A_117 = arith.cmpi ne, %rem3A_114, %ne3A_116 : vector<16xi32>
      %and3A_118 = arith.andi %ne3A_112, %ne3A_117 : vector<16xi1>
      %sub3A_119 = arith.constant 1 : i32
      %sub3A_120 = vector.broadcast %sub3A_119 : i32 to vector<16xi32>
      %sub3A_121 = arith.subi %div3A_94, %sub3A_120 : vector<16xi32>
      %select_n3A_122 = arith.select %and3A_118, %sub3A_121, %div3A_94 : vector<16xi1>, vector<16xi32>
      %mul3A = arith.constant 5 : i32
      %mul3A_123 = vector.broadcast %mul3A : i32 to vector<16xi32>
      %mul3A_124 = arith.muli %mul3A_123, %select_n3A_122 : vector<16xi32>
      %sub3A_125 = arith.subi %iota3A, %mul3A_124 : vector<16xi32>
      %lt3A = arith.constant 15 : i32
      %lt3A_126 = vector.broadcast %lt3A : i32 to vector<16xi32>
      %lt3A_127 = arith.cmpi slt, %iota3A, %lt3A_126 : vector<16xi32>
      %add3A = arith.constant 0 : i32
      %add3A_128 = vector.broadcast %add3A : i32 to vector<16xi32>
      %add3A_129 = arith.addi %min3A_91, %add3A_128 : vector<16xi32>
      %min3A_130 = arith.constant 5 : i32
      %min3A_131 = vector.broadcast %min3A_130 : i32 to vector<16xi32>
      %min3A_132 = arith.minsi %add3A_129, %min3A_131 : vector<16xi32>
      %lt3A_133 = arith.constant 0 : i32
      %lt3A_134 = vector.broadcast %lt3A_133 : i32 to vector<16xi32>
      %lt3A_135 = arith.cmpi slt, %min3A_132, %lt3A_134 : vector<16xi32>
      %add3A_136 = arith.constant 16 : i32
      %add3A_137 = vector.broadcast %add3A_136 : i32 to vector<16xi32>
      %add3A_138 = arith.addi %min3A_132, %add3A_137 : vector<16xi32>
      %select_n3A_139 = arith.select %lt3A_135, %add3A_138, %min3A_132 : vector<16xi1>, vector<16xi32>
      %reshape3A = vector.shape_cast %select_n3A_139 : vector<16xi32> to vector<16x1xi32>
      %gather3A_140 = vector.shape_cast %reshape3A : vector<16x1xi32> to vector<16xi32>
      %gather3A_141 = tpu.dynamic_gather %min3A_14[%gather3A_140] in [0] : vector<16xi32>, vector<16xi32> -> vector<16xi32>
      %min3A_142 = arith.constant 4 : i32
      %min3A_143 = vector.broadcast %min3A_142 : i32 to vector<16xi32>
      %min3A_144 = arith.minsi %sub3A_125, %min3A_143 : vector<16xi32>
      %gather3A_145 = tpu.vector_load_idx %arg9[%min3A_144, %gather3A_141] : memref<5x3xf32, #tpu.memory_space<vmem>>[vector<16xi32>, vector<16xi32>], vector<16xf32>,
      %lt3A_146 = arith.constant 0 : i32
      %lt3A_147 = vector.broadcast %lt3A_146 : i32 to vector<16xi32>
      %lt3A_148 = arith.cmpi slt, %min3A_132, %lt3A_147 : vector<16xi32>
      %add3A_149 = arith.constant 16 : i32
      %add3A_150 = vector.broadcast %add3A_149 : i32 to vector<16xi32>
      %add3A_151 = arith.addi %min3A_132, %add3A_150 : vector<16xi32>
      %select_n3A_152 = arith.select %lt3A_148, %add3A_151, %min3A_132 : vector<16xi1>, vector<16xi32>
      %reshape3A_153 = vector.shape_cast %select_n3A_152 : vector<16xi32> to vector<16x1xi32>
      %gather3A_154 = vector.shape_cast %reshape3A_153 : vector<16x1xi32> to vector<16xi32>
      %gather3A_155 = tpu.dynamic_gather %gather3A[%gather3A_154] in [0] : vector<16xi32>, vector<16xi32> -> vector<16xi32>
      %jit3A_156 = arith.constant 0 : i32
      %jit3A_157 = arith.constant 9 : i32
      %max3A_158 = vector.broadcast %jit3A_156 : i32 to vector<16xi32>
      %max3A_159 = arith.maxsi %max3A_158, %gather3A_155 : vector<16xi32>
      %min3A_160 = vector.broadcast %jit3A_157 : i32 to vector<16xi32>
      %min3A_161 = arith.minsi %min3A_160, %max3A_159 : vector<16xi32>
      tpu.vector_store_idx %arg15[%min3A_161, %sub3A_125], %gather3A_145 masked %lt3A_127 : memref<10x16xf32, #tpu.memory_space<vmem>>[vector<16xi32>, vector<16xi32>], vector<16xf32>, vector<16xi1>
      %add3A_162 = arith.constant 3 : i32
      %add3A_163 = vector.broadcast %add3A_162 : i32 to vector<16xi32>
      %add3A_164 = arith.addi %min3A_91, %add3A_163 : vector<16xi32>
      %min3A_165 = arith.constant 5 : i32
      %min3A_166 = vector.broadcast %min3A_165 : i32 to vector<16xi32>
      %min3A_167 = arith.minsi %add3A_164, %min3A_166 : vector<16xi32>
      %lt3A_168 = arith.constant 0 : i32
      %lt3A_169 = vector.broadcast %lt3A_168 : i32 to vector<16xi32>
      %lt3A_170 = arith.cmpi slt, %min3A_167, %lt3A_169 : vector<16xi32>
      %add3A_171 = arith.constant 16 : i32
      %add3A_172 = vector.broadcast %add3A_171 : i32 to vector<16xi32>
      %add3A_173 = arith.addi %min3A_167, %add3A_172 : vector<16xi32>
      %select_n3A_174 = arith.select %lt3A_170, %add3A_173, %min3A_167 : vector<16xi1>, vector<16xi32>
      %reshape3A_175 = vector.shape_cast %select_n3A_174 : vector<16xi32> to vector<16x1xi32>
      %gather3A_176 = vector.shape_cast %reshape3A_175 : vector<16x1xi32> to vector<16xi32>
      %gather3A_177 = tpu.dynamic_gather %min3A_14[%gather3A_176] in [0] : vector<16xi32>, vector<16xi32> -> vector<16xi32>
      %min3A_178 = arith.constant 4 : i32
      %min3A_179 = vector.broadcast %min3A_178 : i32 to vector<16xi32>
      %min3A_180 = arith.minsi %sub3A_125, %min3A_179 : vector<16xi32>
      %gather3A_181 = tpu.vector_load_idx %arg9[%min3A_180, %gather3A_177] : memref<5x3xf32, #tpu.memory_space<vmem>>[vector<16xi32>, vector<16xi32>], vector<16xf32>,
      %lt3A_182 = arith.constant 0 : i32
      %lt3A_183 = vector.broadcast %lt3A_182 : i32 to vector<16xi32>
      %lt3A_184 = arith.cmpi slt, %min3A_167, %lt3A_183 : vector<16xi32>
      %add3A_185 = arith.constant 16 : i32
      %add3A_186 = vector.broadcast %add3A_185 : i32 to vector<16xi32>
      %add3A_187 = arith.addi %min3A_167, %add3A_186 : vector<16xi32>
      %select_n3A_188 = arith.select %lt3A_184, %add3A_187, %min3A_167 : vector<16xi1>, vector<16xi32>
      %reshape3A_189 = vector.shape_cast %select_n3A_188 : vector<16xi32> to vector<16x1xi32>
      %gather3A_190 = vector.shape_cast %reshape3A_189 : vector<16x1xi32> to vector<16xi32>
      %gather3A_191 = tpu.dynamic_gather %gather3A[%gather3A_190] in [0] : vector<16xi32>, vector<16xi32> -> vector<16xi32>
      %jit3A_192 = arith.constant 0 : i32
      %jit3A_193 = arith.constant 9 : i32
      %max3A_194 = vector.broadcast %jit3A_192 : i32 to vector<16xi32>
      %max3A_195 = arith.maxsi %max3A_194, %gather3A_191 : vector<16xi32>
      %min3A_196 = vector.broadcast %jit3A_193 : i32 to vector<16xi32>
      %min3A_197 = arith.minsi %min3A_196, %max3A_195 : vector<16xi32>
      tpu.vector_store_idx %arg15[%min3A_197, %sub3A_125], %gather3A_181 masked %lt3A_127 : memref<10x16xf32, #tpu.memory_space<vmem>>[vector<16xi32>, vector<16xi32>], vector<16xf32>, vector<16xi1>
      %shift_right_arithmetic3A = arith.constant 3 : i32
      %shift_right_arithmetic3A_198 = vector.broadcast %shift_right_arithmetic3A : i32 to vector<16xi32>
      %shift_right_arithmetic3A_199 = arith.shrsi %iota3A, %shift_right_arithmetic3A_198 : vector<16xi32>
      %and3A_200 = arith.constant 7 : i32
      %and3A_201 = vector.broadcast %and3A_200 : i32 to vector<16xi32>
      %and3A_202 = arith.andi %iota3A, %and3A_201 : vector<16xi32>
      %min3A_203 = arith.constant 4 : i32
      %min3A_204 = vector.broadcast %min3A_203 : i32 to vector<16xi32>
      %min3A_205 = arith.minsi %and3A_202, %min3A_204 : vector<16xi32>
      %min3A_206 = arith.constant 1 : i32
      %min3A_207 = vector.broadcast %min3A_206 : i32 to vector<16xi32>
      %min3A_208 = arith.minsi %shift_right_arithmetic3A_199, %min3A_207 : vector<16xi32>
      %lt3A_209 = arith.constant 0 : i32
      %lt3A_210 = vector.broadcast %lt3A_209 : i32 to vector<16xi32>
      %lt3A_211 = arith.cmpi slt, %min3A_208, %lt3A_210 : vector<16xi32>
      %add3A_212 = arith.constant 16 : i32
      %add3A_213 = vector.broadcast %add3A_212 : i32 to vector<16xi32>
      %add3A_214 = arith.addi %min3A_208, %add3A_213 : vector<16xi32>
      %select_n3A_215 = arith.select %lt3A_211, %add3A_214, %min3A_208 : vector<16xi1>, vector<16xi32>
      %reshape3A_216 = vector.shape_cast %select_n3A_215 : vector<16xi32> to vector<16x1xi32>
      %gather3A_217 = vector.shape_cast %reshape3A_216 : vector<16x1xi32> to vector<16xi32>
      %gather3A_218 = tpu.dynamic_gather %gather3A_18[%gather3A_217] in [0] : vector<16xi32>, vector<16xi32> -> vector<16xi32>
      %jit3A_219 = arith.constant 0 : i32
      %jit3A_220 = arith.constant 8 : i32
      %max3A_221 = vector.broadcast %jit3A_219 : i32 to vector<16xi32>
      %max3A_222 = arith.maxsi %max3A_221, %gather3A_218 : vector<16xi32>
      %min3A_223 = vector.broadcast %jit3A_220 : i32 to vector<16xi32>
      %min3A_224 = arith.minsi %min3A_223, %max3A_222 : vector<16xi32>
      %broadcast_in_dim3A_225 = arith.constant 0 : i32
      %broadcast_in_dim3A_226 = vector.broadcast %broadcast_in_dim3A_225 : i32 to vector<16xi32>
      %broadcast_in_dim3A_227 = arith.constant 0 : i32
      %broadcast_in_dim3A_228 = vector.broadcast %broadcast_in_dim3A_227 : i32 to vector<16xi32>
      %gather3A_229 = tpu.vector_load_idx %arg13[%min3A_224, %broadcast_in_dim3A_226, %broadcast_in_dim3A_228] : memref<9x2x2xi32, #tpu.memory_space<vmem>>[vector<16xi32>, vector<16xi32>, vector<16xi32>], vector<16xi32>,
      %jit3A_230 = arith.constant 0 : i32
      %jit3A_231 = arith.constant 9 : i32
      %max3A_232 = vector.broadcast %jit3A_230 : i32 to vector<16xi32>
      %max3A_233 = arith.maxsi %max3A_232, %gather3A_229 : vector<16xi32>
      %min3A_234 = vector.broadcast %jit3A_231 : i32 to vector<16xi32>
      %min3A_235 = arith.minsi %min3A_234, %max3A_233 : vector<16xi32>
      %gather3A_236 = tpu.vector_load_idx %arg15[%min3A_235, %min3A_205] : memref<10x16xf32, #tpu.memory_space<vmem>>[vector<16xi32>, vector<16xi32>], vector<16xf32>,
      %broadcast_in_dim3A_237 = arith.constant 0 : i32
      %broadcast_in_dim3A_238 = vector.broadcast %broadcast_in_dim3A_237 : i32 to vector<16xi32>
      %broadcast_in_dim3A_239 = arith.constant 1 : i32
      %broadcast_in_dim3A_240 = vector.broadcast %broadcast_in_dim3A_239 : i32 to vector<16xi32>
      %gather3A_241 = tpu.vector_load_idx %arg13[%min3A_224, %broadcast_in_dim3A_238, %broadcast_in_dim3A_240] : memref<9x2x2xi32, #tpu.memory_space<vmem>>[vector<16xi32>, vector<16xi32>, vector<16xi32>], vector<16xi32>,
      %jit3A_242 = arith.constant 0 : i32
      %jit3A_243 = arith.constant 9 : i32
      %max3A_244 = vector.broadcast %jit3A_242 : i32 to vector<16xi32>
      %max3A_245 = arith.maxsi %max3A_244, %gather3A_241 : vector<16xi32>
      %min3A_246 = vector.broadcast %jit3A_243 : i32 to vector<16xi32>
      %min3A_247 = arith.minsi %min3A_246, %max3A_245 : vector<16xi32>
      %gather3A_248 = tpu.vector_load_idx %arg15[%min3A_247, %min3A_205] : memref<10x16xf32, #tpu.memory_space<vmem>>[vector<16xi32>, vector<16xi32>], vector<16xf32>,
      %add3A_249 = arith.addf %gather3A_236, %gather3A_248 : vector<16xf32>
      %broadcast_in_dim3A_250 = arith.constant 1 : i32
      %broadcast_in_dim3A_251 = vector.broadcast %broadcast_in_dim3A_250 : i32 to vector<16xi32>
      %broadcast_in_dim3A_252 = arith.constant 0 : i32
      %broadcast_in_dim3A_253 = vector.broadcast %broadcast_in_dim3A_252 : i32 to vector<16xi32>
      %gather3A_254 = tpu.vector_load_idx %arg13[%min3A_224, %broadcast_in_dim3A_251, %broadcast_in_dim3A_253] : memref<9x2x2xi32, #tpu.memory_space<vmem>>[vector<16xi32>, vector<16xi32>, vector<16xi32>], vector<16xi32>,
      %jit3A_255 = arith.constant 0 : i32
      %jit3A_256 = arith.constant 9 : i32
      %max3A_257 = vector.broadcast %jit3A_255 : i32 to vector<16xi32>
      %max3A_258 = arith.maxsi %max3A_257, %gather3A_254 : vector<16xi32>
      %min3A_259 = vector.broadcast %jit3A_256 : i32 to vector<16xi32>
      %min3A_260 = arith.minsi %min3A_259, %max3A_258 : vector<16xi32>
      %gather3A_261 = tpu.vector_load_idx %arg15[%min3A_260, %min3A_205] : memref<10x16xf32, #tpu.memory_space<vmem>>[vector<16xi32>, vector<16xi32>], vector<16xf32>,
      %broadcast_in_dim3A_262 = arith.constant 1 : i32
      %broadcast_in_dim3A_263 = vector.broadcast %broadcast_in_dim3A_262 : i32 to vector<16xi32>
      %broadcast_in_dim3A_264 = arith.constant 1 : i32
      %broadcast_in_dim3A_265 = vector.broadcast %broadcast_in_dim3A_264 : i32 to vector<16xi32>
      %gather3A_266 = tpu.vector_load_idx %arg13[%min3A_224, %broadcast_in_dim3A_263, %broadcast_in_dim3A_265] : memref<9x2x2xi32, #tpu.memory_space<vmem>>[vector<16xi32>, vector<16xi32>, vector<16xi32>], vector<16xi32>,
      %jit3A_267 = arith.constant 0 : i32
      %jit3A_268 = arith.constant 9 : i32
      %max3A_269 = vector.broadcast %jit3A_267 : i32 to vector<16xi32>
      %max3A_270 = arith.maxsi %max3A_269, %gather3A_266 : vector<16xi32>
      %min3A_271 = vector.broadcast %jit3A_268 : i32 to vector<16xi32>
      %min3A_272 = arith.minsi %min3A_271, %max3A_270 : vector<16xi32>
      %gather3A_273 = tpu.vector_load_idx %arg15[%min3A_272, %min3A_205] : memref<10x16xf32, #tpu.memory_space<vmem>>[vector<16xi32>, vector<16xi32>], vector<16xf32>,
      %add3A_274 = arith.addf %gather3A_261, %gather3A_273 : vector<16xf32>
      %max3A_275 = arith.maximumf %add3A_249, %add3A_274 : vector<16xf32>
      %sub3A_276 = arith.subf %add3A_249, %add3A_274 : vector<16xf32>
      %abs3A = math.absf %sub3A_276 : vector<16xf32>
      %neg3A = arith.constant 0.000000e+00 : f32
      %neg3A_277 = vector.broadcast %neg3A : f32 to vector<16xf32>
      %neg3A_278 = arith.subf %neg3A_277, %abs3A : vector<16xf32>
      %exp3A = math.exp %neg3A_278 : vector<16xf32>
      %add3A_279 = arith.constant 1.000000e+00 : f32
      %add3A_280 = vector.broadcast %add3A_279 : f32 to vector<16xf32>
      %add3A_281 = arith.addf %add3A_280, %exp3A : vector<16xf32>
      %mul3A_282 = arith.constant 2.500000e-01 : f32
      %mul3A_283 = vector.broadcast %mul3A_282 : f32 to vector<16xf32>
      %mul3A_284 = arith.mulf %mul3A_283, %exp3A : vector<16xf32>
      %sub3A_285 = arith.constant 0.333333343 : f32
      %sub3A_286 = vector.broadcast %sub3A_285 : f32 to vector<16xf32>
      %sub3A_287 = arith.subf %sub3A_286, %mul3A_284 : vector<16xf32>
      %mul3A_288 = arith.mulf %exp3A, %sub3A_287 : vector<16xf32>
      %add3A_289 = arith.constant -5.000000e-01 : f32
      %add3A_290 = vector.broadcast %add3A_289 : f32 to vector<16xf32>
      %add3A_291 = arith.addf %add3A_290, %mul3A_288 : vector<16xf32>
      %mul3A_292 = arith.mulf %exp3A, %add3A_291 : vector<16xf32>
      %add3A_293 = arith.constant 1.000000e+00 : f32
      %add3A_294 = vector.broadcast %add3A_293 : f32 to vector<16xf32>
      %add3A_295 = arith.addf %add3A_294, %mul3A_292 : vector<16xf32>
      %mul3A_296 = arith.mulf %exp3A, %add3A_295 : vector<16xf32>
      %neg3A_297 = arith.constant 0.000000e+00 : f32
      %neg3A_298 = vector.broadcast %neg3A_297 : f32 to vector<16xf32>
      %neg3A_299 = arith.subf %neg3A_298, %mul3A_296 : vector<16xf32>
      %exp3A_300 = math.exp %neg3A_299 : vector<16xf32>
      %mul3A_301 = arith.mulf %add3A_281, %exp3A_300 : vector<16xf32>
      %add3A_302 = arith.addf %mul3A_296, %mul3A_301 : vector<16xf32>
      %sub3A_303 = arith.constant 1.000000e+00 : f32
      %sub3A_304 = vector.broadcast %sub3A_303 : f32 to vector<16xf32>
      %sub3A_305 = arith.subf %add3A_302, %sub3A_304 : vector<16xf32>
      %neg3A_306 = arith.constant 0.000000e+00 : f32
      %neg3A_307 = vector.broadcast %neg3A_306 : f32 to vector<16xf32>
      %neg3A_308 = arith.subf %neg3A_307, %sub3A_305 : vector<16xf32>
      %exp3A_309 = math.exp %neg3A_308 : vector<16xf32>
      %mul3A_310 = arith.mulf %add3A_281, %exp3A_309 : vector<16xf32>
      %add3A_311 = arith.addf %sub3A_305, %mul3A_310 : vector<16xf32>
      %sub3A_312 = arith.constant 1.000000e+00 : f32
      %sub3A_313 = vector.broadcast %sub3A_312 : f32 to vector<16xf32>
      %sub3A_314 = arith.subf %add3A_311, %sub3A_313 : vector<16xf32>
      %neg3A_315 = arith.constant 0.000000e+00 : f32
      %neg3A_316 = vector.broadcast %neg3A_315 : f32 to vector<16xf32>
      %neg3A_317 = arith.subf %neg3A_316, %sub3A_314 : vector<16xf32>
      %exp3A_318 = math.exp %neg3A_317 : vector<16xf32>
      %mul3A_319 = arith.mulf %add3A_281, %exp3A_318 : vector<16xf32>
      %add3A_320 = arith.addf %sub3A_314, %mul3A_319 : vector<16xf32>
      %sub3A_321 = arith.constant 1.000000e+00 : f32
      %sub3A_322 = vector.broadcast %sub3A_321 : f32 to vector<16xf32>
      %sub3A_323 = arith.subf %add3A_320, %sub3A_322 : vector<16xf32>
      %add3A_324 = arith.addf %max3A_275, %sub3A_323 : vector<16xf32>
      %and3A_325 = arith.constant 7 : i32
      %and3A_326 = vector.broadcast %and3A_325 : i32 to vector<16xi32>
      %and3A_327 = arith.andi %iota3A, %and3A_326 : vector<16xi32>
      %lt3A_328 = arith.constant 5 : i32
      %lt3A_329 = vector.broadcast %lt3A_328 : i32 to vector<16xi32>
      %lt3A_330 = arith.cmpi slt, %and3A_327, %lt3A_329 : vector<16xi32>
      %mul3A_331 = arith.constant 2.000000e-01 : f32
      %mul3A_332 = vector.broadcast %mul3A_331 : f32 to vector<16xf32>
      %mul3A_333 = arith.mulf %add3A_324, %mul3A_332 : vector<16xf32>
      %jit3A_334 = arith.constant 0.000000e+00 : f32
      %broadcast_in_dim3A_335 = vector.broadcast %jit3A_334 : f32 to vector<16xf32>
      %select_n3A_336 = arith.select %lt3A_330, %mul3A_333, %broadcast_in_dim3A_335 : vector<16xi1>, vector<16xf32>
      %broadcast_in_dim3A_337 = arith.constant true
      %broadcast_in_dim3A_338 = vector.broadcast %broadcast_in_dim3A_337 : i1 to vector<16xi1>
      %masked_cumsum3A = tpu.scan <sum>, %select_n3A_336 masked %broadcast_in_dim3A_338 : vector<16xf32>, vector<16xi1> -> vector<16xf32>
      %broadcast_in_dim3A_339 = arith.constant 4 : i32
      %broadcast_in_dim3A_340 = vector.broadcast %broadcast_in_dim3A_339 : i32 to vector<16xi32>
      %lt3A_341 = arith.constant 0 : i32
      %lt3A_342 = vector.broadcast %lt3A_341 : i32 to vector<16xi32>
      %lt3A_343 = arith.cmpi slt, %broadcast_in_dim3A_340, %lt3A_342 : vector<16xi32>
      %add3A_344 = arith.constant 16 : i32
      %add3A_345 = vector.broadcast %add3A_344 : i32 to vector<16xi32>
      %add3A_346 = arith.addi %broadcast_in_dim3A_340, %add3A_345 : vector<16xi32>
      %select_n3A_347 = arith.select %lt3A_343, %add3A_346, %broadcast_in_dim3A_340 : vector<16xi1>, vector<16xi32>
      %reshape3A_348 = vector.shape_cast %select_n3A_347 : vector<16xi32> to vector<16x1xi32>
      %gather3A_349 = vector.shape_cast %reshape3A_348 : vector<16x1xi32> to vector<16xi32>
      %gather3A_350 = tpu.dynamic_gather %masked_cumsum3A[%gather3A_349] in [0] : vector<16xf32>, vector<16xi32> -> vector<16xf32>
      %mul3A_351 = arith.constant 8 : i32
      %mul3A_352 = vector.broadcast %mul3A_351 : i32 to vector<16xi32>
      %mul3A_353 = arith.muli %shift_right_arithmetic3A_199, %mul3A_352 : vector<16xi32>
      %add3A_354 = arith.constant 4 : i32
      %add3A_355 = vector.broadcast %add3A_354 : i32 to vector<16xi32>
      %add3A_356 = arith.addi %mul3A_353, %add3A_355 : vector<16xi32>
      %lt3A_357 = arith.constant 0 : i32
      %lt3A_358 = vector.broadcast %lt3A_357 : i32 to vector<16xi32>
      %lt3A_359 = arith.cmpi slt, %add3A_356, %lt3A_358 : vector<16xi32>
      %add3A_360 = arith.constant 16 : i32
      %add3A_361 = vector.broadcast %add3A_360 : i32 to vector<16xi32>
      %add3A_362 = arith.addi %add3A_356, %add3A_361 : vector<16xi32>
      %select_n3A_363 = arith.select %lt3A_359, %add3A_362, %add3A_356 : vector<16xi1>, vector<16xi32>
      %reshape3A_364 = vector.shape_cast %select_n3A_363 : vector<16xi32> to vector<16x1xi32>
      %gather3A_365 = vector.shape_cast %reshape3A_364 : vector<16x1xi32> to vector<16xi32>
      %gather3A_366 = tpu.dynamic_gather %masked_cumsum3A[%gather3A_365] in [0] : vector<16xf32>, vector<16xi32> -> vector<16xf32>
      %eq3A_367 = arith.constant 0 : i32
      %eq3A_368 = vector.broadcast %eq3A_367 : i32 to vector<16xi32>
      %eq3A_369 = arith.cmpi eq, %shift_right_arithmetic3A_199, %eq3A_368 : vector<16xi32>
      %jit3A_370 = arith.constant 0.000000e+00 : f32
      %broadcast_in_dim3A_371 = vector.broadcast %jit3A_370 : f32 to vector<16xf32>
      %select_n3A_372 = arith.select %eq3A_369, %broadcast_in_dim3A_371, %gather3A_350 : vector<16xi1>, vector<16xf32>
      %sub3A_373 = arith.subf %gather3A_366, %select_n3A_372 : vector<16xf32>
      %min3A_374 = arith.constant 1 : i32
      %min3A_375 = vector.broadcast %min3A_374 : i32 to vector<16xi32>
      %min3A_376 = arith.minsi %shift_right_arithmetic3A_199, %min3A_375 : vector<16xi32>
      %lt3A_377 = arith.constant 0 : i32
      %lt3A_378 = vector.broadcast %lt3A_377 : i32 to vector<16xi32>
      %lt3A_379 = arith.cmpi slt, %min3A_376, %lt3A_378 : vector<16xi32>
      %add3A_380 = arith.constant 16 : i32
      %add3A_381 = vector.broadcast %add3A_380 : i32 to vector<16xi32>
      %add3A_382 = arith.addi %min3A_376, %add3A_381 : vector<16xi32>
      %select_n3A_383 = arith.select %lt3A_379, %add3A_382, %min3A_376 : vector<16xi1>, vector<16xi32>
      %reshape3A_384 = vector.shape_cast %select_n3A_383 : vector<16xi32> to vector<16x1xi32>
      %gather3A_385 = vector.shape_cast %reshape3A_384 : vector<16x1xi32> to vector<16xi32>
      %gather3A_386 = tpu.dynamic_gather %gather3A_18[%gather3A_385] in [0] : vector<16xi32>, vector<16xi32> -> vector<16xi32>
      %jit3A_387 = arith.constant 0 : i32
      %jit3A_388 = arith.constant 9 : i32
      %max3A_389 = vector.broadcast %jit3A_387 : i32 to vector<16xi32>
      %max3A_390 = arith.maxsi %max3A_389, %gather3A_386 : vector<16xi32>
      %min3A_391 = vector.broadcast %jit3A_388 : i32 to vector<16xi32>
      %min3A_392 = arith.minsi %min3A_391, %max3A_390 : vector<16xi32>
      tpu.vector_store_idx %arg15[%min3A_392, %min3A_205], %sub3A_373 : memref<10x16xf32, #tpu.memory_space<vmem>>[vector<16xi32>, vector<16xi32>], vector<16xf32>,
      %broadcast_in_dim3A_393 = arith.constant 0 : i32
      %broadcast_in_dim3A_394 = vector.broadcast %broadcast_in_dim3A_393 : i32 to vector<16xi32>
      %lt3A_395 = arith.constant 0 : i32
      %lt3A_396 = vector.broadcast %lt3A_395 : i32 to vector<16xi32>
      %lt3A_397 = arith.cmpi slt, %broadcast_in_dim3A_394, %lt3A_396 : vector<16xi32>
      %add3A_398 = arith.constant 16 : i32
      %add3A_399 = vector.broadcast %add3A_398 : i32 to vector<16xi32>
      %add3A_400 = arith.addi %broadcast_in_dim3A_394, %add3A_399 : vector<16xi32>
      %select_n3A_401 = arith.select %lt3A_397, %add3A_400, %broadcast_in_dim3A_394 : vector<16xi1>, vector<16xi32>
      %reshape3A_402 = vector.shape_cast %select_n3A_401 : vector<16xi32> to vector<16x1xi32>
      %gather3A_403 = vector.shape_cast %reshape3A_402 : vector<16x1xi32> to vector<16xi32>
      %gather3A_404 = tpu.dynamic_gather %gather3A_22[%gather3A_403] in [0] : vector<16xi32>, vector<16xi32> -> vector<16xi32>
      %jit3A_405 = arith.constant 0 : i32
      %jit3A_406 = arith.constant 8 : i32
      %max3A_407 = vector.broadcast %jit3A_405 : i32 to vector<16xi32>
      %max3A_408 = arith.maxsi %max3A_407, %gather3A_404 : vector<16xi32>
      %min3A_409 = vector.broadcast %jit3A_406 : i32 to vector<16xi32>
      %min3A_410 = arith.minsi %min3A_409, %max3A_408 : vector<16xi32>
      %min3A_411 = arith.constant 3 : i32
      %min3A_412 = vector.broadcast %min3A_411 : i32 to vector<16xi32>
      %min3A_413 = arith.minsi %iota3A, %min3A_412 : vector<16xi32>
      %shift_right_arithmetic3A_414 = arith.constant 1 : i32
      %shift_right_arithmetic3A_415 = vector.broadcast %shift_right_arithmetic3A_414 : i32 to vector<16xi32>
      %shift_right_arithmetic3A_416 = arith.shrsi %min3A_413, %shift_right_arithmetic3A_415 : vector<16xi32>
      %and3A_417 = arith.constant 1 : i32
      %and3A_418 = vector.broadcast %and3A_417 : i32 to vector<16xi32>
      %and3A_419 = arith.andi %min3A_413, %and3A_418 : vector<16xi32>
      %gather3A_420 = tpu.vector_load_idx %arg13[%min3A_410, %shift_right_arithmetic3A_416, %and3A_419] : memref<9x2x2xi32, #tpu.memory_space<vmem>>[vector<16xi32>, vector<16xi32>, vector<16xi32>], vector<16xi32>,
      %jit3A_421 = arith.constant 0 : i32
      %jit3A_422 = arith.constant 9 : i32
      %max3A_423 = vector.broadcast %jit3A_421 : i32 to vector<16xi32>
      %max3A_424 = arith.maxsi %max3A_423, %gather3A_420 : vector<16xi32>
      %min3A_425 = vector.broadcast %jit3A_422 : i32 to vector<16xi32>
      %min3A_426 = arith.minsi %min3A_425, %max3A_424 : vector<16xi32>
      %broadcast_in_dim3A_427 = arith.constant 0 : i32
      %broadcast_in_dim3A_428 = vector.broadcast %broadcast_in_dim3A_427 : i32 to vector<16xi32>
      %lt3A_429 = arith.constant 0 : i32
      %lt3A_430 = vector.broadcast %lt3A_429 : i32 to vector<16xi32>
      %lt3A_431 = arith.cmpi slt, %broadcast_in_dim3A_428, %lt3A_430 : vector<16xi32>
      %add3A_432 = arith.constant 16 : i32
      %add3A_433 = vector.broadcast %add3A_432 : i32 to vector<16xi32>
      %add3A_434 = arith.addi %broadcast_in_dim3A_428, %add3A_433 : vector<16xi32>
      %select_n3A_435 = arith.select %lt3A_431, %add3A_434, %broadcast_in_dim3A_428 : vector<16xi1>, vector<16xi32>
      %reshape3A_436 = vector.shape_cast %select_n3A_435 : vector<16xi32> to vector<16x1xi32>
      %gather3A_437 = vector.shape_cast %reshape3A_436 : vector<16x1xi32> to vector<16xi32>
      %gather3A_438 = tpu.dynamic_gather %min3A_426[%gather3A_437] in [0] : vector<16xi32>, vector<16xi32> -> vector<16xi32>
      %gather3A_439 = tpu.vector_load_idx %arg15[%gather3A_438, %iota3A] : memref<10x16xf32, #tpu.memory_space<vmem>>[vector<16xi32>, vector<16xi32>], vector<16xf32>,
      %broadcast_in_dim3A_440 = arith.constant 1 : i32
      %broadcast_in_dim3A_441 = vector.broadcast %broadcast_in_dim3A_440 : i32 to vector<16xi32>
      %lt3A_442 = arith.constant 0 : i32
      %lt3A_443 = vector.broadcast %lt3A_442 : i32 to vector<16xi32>
      %lt3A_444 = arith.cmpi slt, %broadcast_in_dim3A_441, %lt3A_443 : vector<16xi32>
      %add3A_445 = arith.constant 16 : i32
      %add3A_446 = vector.broadcast %add3A_445 : i32 to vector<16xi32>
      %add3A_447 = arith.addi %broadcast_in_dim3A_441, %add3A_446 : vector<16xi32>
      %select_n3A_448 = arith.select %lt3A_444, %add3A_447, %broadcast_in_dim3A_441 : vector<16xi1>, vector<16xi32>
      %reshape3A_449 = vector.shape_cast %select_n3A_448 : vector<16xi32> to vector<16x1xi32>
      %gather3A_450 = vector.shape_cast %reshape3A_449 : vector<16x1xi32> to vector<16xi32>
      %gather3A_451 = tpu.dynamic_gather %min3A_426[%gather3A_450] in [0] : vector<16xi32>, vector<16xi32> -> vector<16xi32>
      %gather3A_452 = tpu.vector_load_idx %arg15[%gather3A_451, %iota3A] : memref<10x16xf32, #tpu.memory_space<vmem>>[vector<16xi32>, vector<16xi32>], vector<16xf32>,
      %add3A_453 = arith.addf %gather3A_439, %gather3A_452 : vector<16xf32>
      %broadcast_in_dim3A_454 = arith.constant 2 : i32
      %broadcast_in_dim3A_455 = vector.broadcast %broadcast_in_dim3A_454 : i32 to vector<16xi32>
      %lt3A_456 = arith.constant 0 : i32
      %lt3A_457 = vector.broadcast %lt3A_456 : i32 to vector<16xi32>
      %lt3A_458 = arith.cmpi slt, %broadcast_in_dim3A_455, %lt3A_457 : vector<16xi32>
      %add3A_459 = arith.constant 16 : i32
      %add3A_460 = vector.broadcast %add3A_459 : i32 to vector<16xi32>
      %add3A_461 = arith.addi %broadcast_in_dim3A_455, %add3A_460 : vector<16xi32>
      %select_n3A_462 = arith.select %lt3A_458, %add3A_461, %broadcast_in_dim3A_455 : vector<16xi1>, vector<16xi32>
      %reshape3A_463 = vector.shape_cast %select_n3A_462 : vector<16xi32> to vector<16x1xi32>
      %gather3A_464 = vector.shape_cast %reshape3A_463 : vector<16x1xi32> to vector<16xi32>
      %gather3A_465 = tpu.dynamic_gather %min3A_426[%gather3A_464] in [0] : vector<16xi32>, vector<16xi32> -> vector<16xi32>
      %gather3A_466 = tpu.vector_load_idx %arg15[%gather3A_465, %iota3A] : memref<10x16xf32, #tpu.memory_space<vmem>>[vector<16xi32>, vector<16xi32>], vector<16xf32>,
      %broadcast_in_dim3A_467 = arith.constant 3 : i32
      %broadcast_in_dim3A_468 = vector.broadcast %broadcast_in_dim3A_467 : i32 to vector<16xi32>
      %lt3A_469 = arith.constant 0 : i32
      %lt3A_470 = vector.broadcast %lt3A_469 : i32 to vector<16xi32>
      %lt3A_471 = arith.cmpi slt, %broadcast_in_dim3A_468, %lt3A_470 : vector<16xi32>
      %add3A_472 = arith.constant 16 : i32
      %add3A_473 = vector.broadcast %add3A_472 : i32 to vector<16xi32>
      %add3A_474 = arith.addi %broadcast_in_dim3A_468, %add3A_473 : vector<16xi32>
      %select_n3A_475 = arith.select %lt3A_471, %add3A_474, %broadcast_in_dim3A_468 : vector<16xi1>, vector<16xi32>
      %reshape3A_476 = vector.shape_cast %select_n3A_475 : vector<16xi32> to vector<16x1xi32>
      %gather3A_477 = vector.shape_cast %reshape3A_476 : vector<16x1xi32> to vector<16xi32>
      %gather3A_478 = tpu.dynamic_gather %min3A_426[%gather3A_477] in [0] : vector<16xi32>, vector<16xi32> -> vector<16xi32>
      %gather3A_479 = tpu.vector_load_idx %arg15[%gather3A_478, %iota3A] : memref<10x16xf32, #tpu.memory_space<vmem>>[vector<16xi32>, vector<16xi32>], vector<16xf32>,
      %add3A_480 = arith.addf %gather3A_466, %gather3A_479 : vector<16xf32>
      %max3A_481 = arith.maximumf %add3A_453, %add3A_480 : vector<16xf32>
      %sub3A_482 = arith.subf %add3A_453, %add3A_480 : vector<16xf32>
      %abs3A_483 = math.absf %sub3A_482 : vector<16xf32>
      %neg3A_484 = arith.constant 0.000000e+00 : f32
      %neg3A_485 = vector.broadcast %neg3A_484 : f32 to vector<16xf32>
      %neg3A_486 = arith.subf %neg3A_485, %abs3A_483 : vector<16xf32>
      %exp3A_487 = math.exp %neg3A_486 : vector<16xf32>
      %add3A_488 = arith.constant 1.000000e+00 : f32
      %add3A_489 = vector.broadcast %add3A_488 : f32 to vector<16xf32>
      %add3A_490 = arith.addf %add3A_489, %exp3A_487 : vector<16xf32>
      %mul3A_491 = arith.constant 2.500000e-01 : f32
      %mul3A_492 = vector.broadcast %mul3A_491 : f32 to vector<16xf32>
      %mul3A_493 = arith.mulf %mul3A_492, %exp3A_487 : vector<16xf32>
      %sub3A_494 = arith.constant 0.333333343 : f32
      %sub3A_495 = vector.broadcast %sub3A_494 : f32 to vector<16xf32>
      %sub3A_496 = arith.subf %sub3A_495, %mul3A_493 : vector<16xf32>
      %mul3A_497 = arith.mulf %exp3A_487, %sub3A_496 : vector<16xf32>
      %add3A_498 = arith.constant -5.000000e-01 : f32
      %add3A_499 = vector.broadcast %add3A_498 : f32 to vector<16xf32>
      %add3A_500 = arith.addf %add3A_499, %mul3A_497 : vector<16xf32>
      %mul3A_501 = arith.mulf %exp3A_487, %add3A_500 : vector<16xf32>
      %add3A_502 = arith.constant 1.000000e+00 : f32
      %add3A_503 = vector.broadcast %add3A_502 : f32 to vector<16xf32>
      %add3A_504 = arith.addf %add3A_503, %mul3A_501 : vector<16xf32>
      %mul3A_505 = arith.mulf %exp3A_487, %add3A_504 : vector<16xf32>
      %neg3A_506 = arith.constant 0.000000e+00 : f32
      %neg3A_507 = vector.broadcast %neg3A_506 : f32 to vector<16xf32>
      %neg3A_508 = arith.subf %neg3A_507, %mul3A_505 : vector<16xf32>
      %exp3A_509 = math.exp %neg3A_508 : vector<16xf32>
      %mul3A_510 = arith.mulf %add3A_490, %exp3A_509 : vector<16xf32>
      %add3A_511 = arith.addf %mul3A_505, %mul3A_510 : vector<16xf32>
      %sub3A_512 = arith.constant 1.000000e+00 : f32
      %sub3A_513 = vector.broadcast %sub3A_512 : f32 to vector<16xf32>
      %sub3A_514 = arith.subf %add3A_511, %sub3A_513 : vector<16xf32>
      %neg3A_515 = arith.constant 0.000000e+00 : f32
      %neg3A_516 = vector.broadcast %neg3A_515 : f32 to vector<16xf32>
      %neg3A_517 = arith.subf %neg3A_516, %sub3A_514 : vector<16xf32>
      %exp3A_518 = math.exp %neg3A_517 : vector<16xf32>
      %mul3A_519 = arith.mulf %add3A_490, %exp3A_518 : vector<16xf32>
      %add3A_520 = arith.addf %sub3A_514, %mul3A_519 : vector<16xf32>
      %sub3A_521 = arith.constant 1.000000e+00 : f32
      %sub3A_522 = vector.broadcast %sub3A_521 : f32 to vector<16xf32>
      %sub3A_523 = arith.subf %add3A_520, %sub3A_522 : vector<16xf32>
      %neg3A_524 = arith.constant 0.000000e+00 : f32
      %neg3A_525 = vector.broadcast %neg3A_524 : f32 to vector<16xf32>
      %neg3A_526 = arith.subf %neg3A_525, %sub3A_523 : vector<16xf32>
      %exp3A_527 = math.exp %neg3A_526 : vector<16xf32>
      %mul3A_528 = arith.mulf %add3A_490, %exp3A_527 : vector<16xf32>
      %add3A_529 = arith.addf %sub3A_523, %mul3A_528 : vector<16xf32>
      %sub3A_530 = arith.constant 1.000000e+00 : f32
      %sub3A_531 = vector.broadcast %sub3A_530 : f32 to vector<16xf32>
      %sub3A_532 = arith.subf %add3A_529, %sub3A_531 : vector<16xf32>
      %add3A_533 = arith.addf %max3A_481, %sub3A_532 : vector<16xf32>
      %swap3A_534 = arith.constant 0 : index
      %swap3A_535 = tpu.vector_load %arg16[%swap3A_534] {strides = array<i32>} : memref<16xf32, #tpu.memory_space<vmem>>, vector<16xf32>,
      tpu.vector_store %arg16[%swap3A_534], %add3A_533 {strides = array<i32>} : memref<16xf32, #tpu.memory_space<vmem>>, vector<16xf32>,
      "tpu.region"() ({
        %run_scoped3A = tpu.sem_alloc : memref<!tpu.dma_semaphore, #tpu.memory_space<semaphore_mem>>
        tpu.enqueue_dma source(%arg16 : memref<16xf32, #tpu.memory_space<vmem>>) target(%arg8 : memref<16xf32, #tpu.memory_space<hbm>>) target_semaphore(%run_scoped3A : memref<!tpu.dma_semaphore, #tpu.memory_space<semaphore_mem>>)
        tpu.wait_dma2 semaphore(%run_scoped3A : memref<!tpu.dma_semaphore, #tpu.memory_space<semaphore_mem>>) src(%arg16 : memref<16xf32, #tpu.memory_space<vmem>>) dst(%arg8 : memref<16xf32, #tpu.memory_space<hbm>>)
        tpu.yield
      }) : () -> ()
    } else {
    }
    return
  }
}

</mosaic_0001>

<sc_bundles>
// kernel: kernel.3.cloned.1.call-start
scs
__scs_entry_jumppad:
0x0: {  	(pc) =	sbr.rel $0x88, $3  }
0x1: {  	(tag) =	ssettag $0x0;
	lr =	simm.s32 $0x1  }
0x2: {  	[smem:$0x3F9B] =	sst lr;
	_ =	strace $0xD0000000  }
0x3: {  	_ = 	snop  }
0x4: {  	_ = 	snop  }
0x5: {  	_ = 	snop  }
0x6: {  	_ = 	snop  }
0x7: {  	_ = 	snop  }
__scs_overlays_trampoline_lowered:
0x8: {  	[smem:$0x3FAA] =	sst s0  }
0x9: {  	[smem:$0x3FAB] =	sst s1  }
0xa: {  	[smem:$0x3FAC] =	sst s2  }
0xb: {  	[smem:$0x3FAD] =	sst s3  }
0xc: {  	[smem:$0x3FAE] =	sst s4  }
0xd: {  	[smem:$0x3FAF] =	sst s5  }
0xe: {  	[smem:$0x3FB0] =	sst s6  }
0xf: {  	[smem:$0x3FB1] =	sst s7  }
0x10: {  	[smem:$0x3FB2] =	sst s8  }
0x11: {  	[smem:$0x3FB3] =	sst s9;
	s0 =	simm.s32 @!p0 $0x0  }
0x12: {  	s1 =	sld [smem:$0x3F99];
	s0 =	simm.s32 @p0 $0x1  }
0x13: {  	[smem:$0x3FB4] =	sst s0;
	s0 =	simm.s32 @!p1 $0x0  }
0x14: {  	s2 =	sld [smem:$0x3F98];
	s0 =	simm.s32 @p1 $0x1  }
0x15: {  	[smem:$0x3FB5] =	sst s0;
	s0 =	simm.s32 @!p2 $0x0  }
0x16: {  	s3 =	sld [smem:$0x3FDB];
	s0 =	simm.s32 @p2 $0x1  }
0x17: {  	s4 =	simm.s32 $0x1BF5;
	[smem:$0x3FB7] =	sst s0  }
0x18: {  	s0 =	sld [smem:$0x3F9A];
	_ =	swait.ge [sflag:s4], $0x0  }
0x19: {  	s7 =	sld [smem:$0x3F9B]  }
0x1a: {  	s8 =	sadd.s32 $0xFFFFE003, lr  }
0x1b: {  	s9 =	sadd.s32 $0xFFFFFEF7, lr;
	s5 =	simm.s32 $0xFFFFFFFF;
	p2 =	slt.u32 s8, $0xFFFFF086  }
0x1c: {  	p1 =	slt.u32 s9, $0xF7A;
	s5 =	simm.s32 @!p2 $0x0  }
0x1d: {  	s5 =	simm.s32 @p1 $0x1;
	p0 =	seq.s32 s7, s2  }
0x1e: {  	s7 =	smul.u32 @!p0 $0xF7A, s2;
	p2 =	seq.s32 @!p0 s5, $0x0  }
0x1f: {  	s9 =	smul.u32 $0xF7A, s1;
	s8 =	simm.s32 @!p0 $0x1BF5;
	p2 =	por !p2, p0  }
0x20: {  	[sflag:s8] =	ssyncset.s32 @!p0 $0xFFFFF086;
	s6 =	sadd.s32 @!p0 s3, s7;
	s7 =	simm.s32 @!p0 $0x108  }
0x21: {  	s3 =	sadd.s32 s3, s9;
	s6 =	sadd.s32 @!p0 $0x88, s6;
	s7 =	simm.s32 @p2 $0x1082  }
0x22: {  	[simem:s7], [sflag:s8] =	dma.local @!p0 [hbm:s6], $0xF7A  }
0x23: {  	s9 =	sor.u32 $0xD0000000, s2;
	s6 =	simm.s32 $0x108;
	_ =	swait.ge @!p0 [sflag:s8], $0x0  }
0x24: {  	s3 =	sadd.s32 $0x88, s3;
	s6 =	simm.s32 @!p1 $0x1082;
	[sflag:s4] =	ssyncset.s32 $0xFFFFF086  }
0x25: {  	[simem:s6], [sflag:s4] =	dma.local [hbm:s3], $0xF7A  }
0x26: {  	[smem:$0x3F9B] =	sst s1;
	(tag) =	ssettag s2;
	_ =	strace s9  }
0x27: {  	s1 =	sld [smem:$0x3FAB]  }
0x28: {  	s2 =	sld [smem:$0x3FAC]  }
0x29: {  	s4 =	sld [smem:$0x3FAE]  }
0x2a: {  	p0 =	seq.s32 s5, $0x0;
	s5 =	sld [smem:$0x3FAF]  }
0x2b: {  	s6 =	sld [smem:$0x3FB0]  }
0x2c: {  	s7 =	sld [smem:$0x3FB1]  }
0x2d: {  	s3 =	simm.s32 $0x108;
	s8 =	sld [smem:$0x3FB2]  }
0x2e: {  	s3 =	simm.s32 @!p0 $0x1082;
	s9 =	sld [smem:$0x3FB3]  }
0x2f: {  	lr =	sadd.s32 s0, s3;
	s0 =	sld [smem:$0x3FAA]  }
0x30: {  	s3 =	sld [smem:$0x3FAD]  }
0x31: {  	[smem:$0x3FB6] =	sst s10  }
0x32: {  	s10 =	sld [smem:$0x3FB4];
	_ =	sdelay $0x3  }
0x33: {  	p0 =	seq.s32 s10, $0x1;
	s10 =	sld [smem:$0x3FB6];
	_ =	sdelay $0x3  }
0x34: {  	[smem:$0x3FB6] =	sst s10  }
0x35: {  	s10 =	sld [smem:$0x3FB5];
	_ =	sdelay $0x3  }
0x36: {  	p1 =	seq.s32 s10, $0x1;
	s10 =	sld [smem:$0x3FB6];
	_ =	sdelay $0x3  }
0x37: {  	[smem:$0x3FB6] =	sst s10  }
0x38: {  	s10 =	sld [smem:$0x3FB7]  }
0x39: {  	_ = 	snop;
	(pc) =	sbr.ind lr, $3  }
0x3a: {  	_ = 	snop  }
0x3b: {  	_ = 	snop  }
0x3c: {  	p2 =	seq.s32 s10, $0x1;
	s10 =	sld [smem:$0x3FB6]  }
0x3d: {  	_ =	shalt  }
0x3e: {  	_ =	shalt  }
0x3f: {  	_ =	shalt  }
0x40: {  	_ =	shalt  }
0x41: {  	_ =	shalt  }
0x42: {  	_ =	shalt  }
0x43: {  	_ =	shalt  }
0x44: {  	_ =	shalt  }
0x45: {  	_ =	shalt  }
0x46: {  	_ =	shalt  }
0x47: {  	_ =	shalt  }
0x48: {  	_ =	shalt  }
0x49: {  	_ =	shalt  }
0x4a: {  	_ =	shalt  }
0x4b: {  	_ =	shalt  }
0x4c: {  	_ =	shalt  }
0x4d: {  	_ =	shalt  }
0x4e: {  	_ =	shalt  }
0x4f: {  	_ =	shalt  }
0x50: {  	_ =	shalt  }
0x51: {  	_ =	shalt  }
0x52: {  	_ =	shalt  }
0x53: {  	_ =	shalt  }
0x54: {  	_ =	shalt  }
0x55: {  	_ =	shalt  }
0x56: {  	_ =	shalt  }
0x57: {  	_ =	shalt  }
0x58: {  	_ =	shalt  }
0x59: {  	_ =	shalt  }
0x5a: {  	_ =	shalt  }
0x5b: {  	_ =	shalt  }
0x5c: {  	_ =	shalt  }
0x5d: {  	_ =	shalt  }
0x5e: {  	_ =	shalt  }
0x5f: {  	_ =	shalt  }
0x60: {  	_ =	shalt  }
0x61: {  	_ =	shalt  }
0x62: {  	_ =	shalt  }
0x63: {  	_ =	shalt  }
0x64: {  	_ =	shalt  }
0x65: {  	_ =	shalt  }
0x66: {  	_ =	shalt  }
0x67: {  	_ =	shalt  }
0x68: {  	_ =	shalt  }
0x69: {  	_ =	shalt  }
0x6a: {  	_ =	shalt  }
0x6b: {  	_ =	shalt  }
0x6c: {  	_ =	shalt  }
0x6d: {  	_ =	shalt  }
0x6e: {  	_ =	shalt  }
0x6f: {  	_ =	shalt  }
0x70: {  	_ =	shalt  }
0x71: {  	_ =	shalt  }
0x72: {  	_ =	shalt  }
0x73: {  	_ =	shalt  }
0x74: {  	_ =	shalt  }
0x75: {  	_ =	shalt  }
0x76: {  	_ =	shalt  }
0x77: {  	_ =	shalt  }
0x78: {  	_ =	shalt  }
0x79: {  	_ =	shalt  }
0x7a: {  	_ =	shalt  }
0x7b: {  	_ =	shalt  }
0x7c: {  	_ =	shalt  }
0x7d: {  	_ =	shalt  }
0x7e: {  	_ =	shalt  }
0x7f: {  	_ =	shalt  }
0x80: {  	_ =	shalt  }
0x81: {  	_ =	shalt  }
0x82: {  	_ =	shalt  }
0x83: {  	_ =	shalt  }
0x84: {  	_ =	shalt  }
0x85: {  	_ =	shalt  }
0x86: {  	_ =	shalt  }
0x87: {  	_ =	shalt  }
.Lfunc_end0:
.L_simem_size_0:
called_computation_lowered:
.L_overlay_start_0:
0x88: {  	s0 =	sld [smem:$0x3FD9]  }
0x89: {  	s1 =	sld [smem:$0x3FFE];
	_ =	sdelay $0x3  }
0x8a: {  	s0 =	sadd.s32 s1, s0  }
0x8b: {  	[smem:$0x3FC2] =	sst s0  }
0x8c: {  	_ = 	snop  }
0x8d: {  	s0 =	sld [smem:$0x3FC8]  }
0x8e: {  	s16 =	sld [smem:$0x3FC7]  }
0x8f: {  	s2 =	sld [smem:$0x3FC6]  }
0x90: {  	s3 =	sld [smem:$0x3FC4];
	(tm) =	ssettm $0x1  }
0x91: {  	s4 =	sld [smem:$0x3FFB];
	_ =	sdelay $0x3  }
0x92: {  	_ =	strace s4  }
0x93: {  	s4 =	sld [smem:$0x3FFC];
	_ =	sdelay $0x3  }
0x94: {  	_ =	strace s4  }
0x95: {  	s4 =	sld [smem:$0x3FFD];
	_ =	sdelay $0x3  }
0x96: {  	_ =	strace s4  }
0x97: {  	_ =	strace $0x8FFFFFFF  }
0x98: {  	s17 =	sld [smem:$0x3FDB];
	_ =	sdelay $0x1  }
0x99: {  	s5 =	simm.s32 $_scs_section_size  }
0x9a: {  	s6 =	simm.s32 $_size__tile_overlayer_lowered;
	s7 =	simm.s32 $_tile_overlayer_lowered  }
0x9b: {  	s20 =	simm.s32 $0x1BFF;
	s19 =	sshll.u32 s7, $0x1;
	s4 =	sadd.s32 s5, s17  }
0x9c: {  	s8 =	simm.s32 $0x0;
	s18 =	sshll.u32 s6, $0x1;
	s6 =	sadd.s32 s19, s4  }
0x9d: {  	[timem:s8], [sflag:s20] =	dma.local [hbm:s6], s18  }
0x9e: {  	_ =	swait.ge [sflag:s20], s18  }
0x9f: {  	s5 =	ssub.s32 $0x0, s18;
	[sflag:s20] =	ssyncset.done $0x0  }
0xa0: {  	[sflag:s20] =	ssyncadd.s32 s5;
	_ =	sdelay $0x1  }
0xa1: {  	s21 =	simm.s32 $0x1B8B  }
0xa2: {  	_ =	swait.ge [sflag:s21], $0x1  }
0xa3: {  	[sflag:s21] =	ssyncset.done $0x0  }
0xa4: {  	s23 =	simm.s32 $0x1B8E;
	s22 =	sld [smem:$0x3FFE];
	[sflag:s21] =	ssyncadd.s32 $0xFFFFFFFF  }
0xa5: {  	s24 =	simm.s32 $execute0_lowered;
	[smem:$0x3FD2] =	sst s23  }
0xa6: {  	s6 =	sshll.u32 s24, $0x1;
	_ =	strace $0x80000046;
	[dreg:$0x1] =	wrdreg $0xFFFFFFFF  }
0xa7: {  	s25 =	simm.s32 $_size_execute0_lowered;
	s4 =	sadd.s32 s4, s6;
	[dreg:$0x0] =	wrdreg $0x0  }
0xa8: {  	s6 =	sshll.u32 s25, $0x1;
	[dreg:$0x2] =	wrdreg s4  }
0xa9: {  	[dreg:$0x3] =	wrdreg s6  }
0xaa: {  	[dreg:$0x4] =	wrdreg $0xC0  }
0xab: {  	_ =	task [dreg:s8], $0x5FFFF  }
0xac: {  	[dreg:$0x1] =	wrdreg $0xFFFFFFFF  }
0xad: {  	[dreg:$0x0] =	wrdreg $0x60  }
0xae: {  	[dreg:$0x2] =	wrdreg s22  }
0xaf: {  	[dreg:$0x3] =	wrdreg s0  }
0xb0: {  	[dreg:$0x4] =	wrdreg s16  }
0xb1: {  	[dreg:$0x5] =	wrdreg s2  }
0xb2: {  	[dreg:$0x6] =	wrdreg s3  }
0xb3: {  	[dreg:$0x7] =	wrdreg $0x9  }
0xb4: {  	_ =	task.clear_ibuf [dreg:s8], $0x8FFFF;
	_ =	strace $0x90000046  }
0xb5: {  	s26 =	simm.s32 $0x9;
	_ =	strace $0x80000048  }
0xb6: {  	_ =	swait.ge [sflag:s26], $0x1  }
0xb7: {  	[sflag:s26] =	ssyncadd.s32 $0xFFFFFFFF  }
0xb8: {  	_ =	strace $0x90000048  }
0xb9: {  	_ =	sfence  }
0xba: {  	s28 =	sld [smem:$0x0];
	_ =	sdelay $0x1  }
0xbb: {  	s29 =	srdreg.scid  }
0xbc: {  	s30 =	sshll.u32 s29, $0xD;
	s31 =	sshrl.u32 s29, $0x2  }
0xbd: {  	s1 =	sand.u32 $0x1, s29;
	s2 =	sand.u32 $0x4000, s30;
	s0 =	sadd.s32 s31, s28  }
0xbe: {  	s1 =	sor.u32 s2, s1;
	s0 =	sshll.u32 s0, $0x11  }
0xbf: {  	s0 =	sor.u32 s0, s1  }
0xc0: {  	s0 =	sadd.s32 $0x8F2B, s0  }
0xc1: {  	[sflag:s0] =	ssyncadd.remote.s32 $0x1  }
0xc2: {  	_ =	sfence.sel $0xFFFF  }
0xc3: {  	[dreg:$0x0] =	wrdreg $0xFFFFFFFF;
	(pc) =	sbr.abs _section_cstart, $3  }
0xc4: {  	[dreg:$0x1] =	wrdreg $0xFFFFFFFF  }
0xc5: {  	_ =	task.clear_ibuf [dreg:s8], $0x2FFFF;
	_ =	strace $0x9FFFFFFF  }
0xc6: {  	(tm) =	ssettm $0x7FFFFFFF  }
0xc7: {  	_ =	shalt  }
tec
execute0_lowered:
.L_overlay_start_1:
0x0: {  	(tag) =	ssettag $0x1  }
0x1: {  	s2 =	stileid.u32  }
0x2: {  	s1 =	rddreg [dreg:$0x0];
	p0 =	sne.s32 s2, $0x0  }
.Ltmp0:
0x3: {  	s4 =	rddreg [dreg:$0x1];
	(pc) =	sbr.rel @p0 .LBB2_2-.Ltmp0, $4  }
0x4: {  	s7 =	rddreg [dreg:$0x2]  }
0x5: {  	s3 =	rddreg [dreg:$0x3]  }
0x6: {  	s6 =	rddreg [dreg:$0x4]  }
0x7: {  	s0 =	rddreg [dreg:$0x5];
	_ =	strace $0x80000047  }
0x8: {  	s5 =	sadd.s32 $0x600, s1;
	s2 =	simm.s32 $0x0  }
0x9: {  	[tilespmem:s2], [sflag:$0x1] =	stream.linear.gather [hbm4b:s5+s2], $0x280, $0x38;
	[tilespmem:$0x1780] =	vst v63  }
0xa: {  	s21 =	simm.s32 $0x400  }
0xb: {  	[tilespmem:s21], [sflag:$0x1] =	stream.linear.gather [hbm4b:s4+s2], $0x80, $0x38;
	[tilespmem:$0x1780] =	vst v63  }
0xc: {  	s22 =	simm.s32 $0x480  }
0xd: {  	[tilespmem:s22], [sflag:$0x1] =	stream.linear.gather [hbm4b:s7+s2], $0x80, $0x38;
	[tilespmem:$0x1780] =	vst v63  }
0xe: {  	s23 =	simm.s32 $0x500  }
0xf: {  	[tilespmem:s23], [sflag:$0x1] =	stream.linear.gather [hbm4b:s3+s2], $0x80, $0x38;
	[tilespmem:$0x1780] =	vst v63  }
0x10: {  	s8 =	sadd.s32 $0x800, s1;
	s24 =	simm.s32 $0x580  }
0x11: {  	[tilespmem:s24], [sflag:$0x1] =	stream.linear.gather [hbm4b:s8+s2], $0x900, $0x38;
	[tilespmem:$0x1780] =	vst v63  }
0x12: {  	s25 =	simm.s32 $0xE80;
	s26 =	simm.s32 $0x1  }
0x13: {  	[tilespmem:s25], [sflag:$0x1] =	stream.linear.gather [hbm4b:s6+s2], $0x80, $0x38;
	[tilespmem:$0x1780] =	vst v63  }
0x14: {  	_ =	swait.ge [sflag:s26], $0x280  }
0x15: {  	[sflag:s26] =	ssyncset.done $0x0  }
0x16: {  	[sflag:s26] =	ssyncadd.s32 $0xFFFFFD80  }
0x17: {  	_ =	swait.ge [sflag:s26], $0x80  }
0x18: {  	[sflag:s26] =	ssyncset.done $0x0  }
0x19: {  	[sflag:s26] =	ssyncadd.s32 $0xFFFFFF80  }
0x1a: {  	_ =	swait.ge [sflag:s26], $0x80  }
0x1b: {  	[sflag:s26] =	ssyncset.done $0x0  }
0x1c: {  	v0 =	vimm.s32 $0x55543210;
	[sflag:s26] =	ssyncadd.s32 $0xFFFFFF80  }
0x1d: {  	v0 =	vunpack.c.l.s4.s8 v0;
	_ =	swait.ge [sflag:s26], $0x80  }
0x1e: {  	[sflag:s26] =	ssyncset.done $0x0  }
0x1f: {  	v0 =	vunpack.c.0.s8.s32 v0;
	[sflag:s26] =	ssyncadd.s32 $0xFFFFFF80  }
0x20: {  	vm0 =	vcmask $0x1F00;
	vm11 =	vcmask $0x300;
	v33 =	vimm.s32 $0x1;
	_ =	swait.ge [sflag:s26], $0x900  }
0x21: {  	vm12 =	vcmask $0x704;
	v1 =	vimm.s32 $0x0;
	v2 =	vnsel vm0, $0x5, v0;
	[sflag:s26] =	ssyncset.done $0x0  }
0x22: {  	vm13 =	vcmask $0xB08;
	v6 =	vimm.s32 $0xEAA55400;
	vm14 =	vcmask $0xF0C;
	[sflag:s26] =	ssyncadd.s32 $0xFFFFF700  }
0x23: {  	vm15 =	vcmask $0x1310;
	vm4 =	vcmask $0x1B18;
	vm5 =	vcmask $0x1F1C;
	_ =	swait.ge [sflag:s26], $0x80  }
0x24: {  	vm6 =	vcmask $0x2320;
	vm7 =	vcmask $0x2724;
	v5 =	vsel vm12, $0x80, v1;
	[sflag:s26] =	ssyncset.done $0x0  }
0x25: {  	v35 =	vimm.f32 $0.0e+00;
	v4 =	vsel vm11, $0x0, v33;
	v5 =	vsel vm13, $0x100, v5;
	[sflag:s26] =	ssyncadd.s32 $0xFFFFFF80  }
0x26: {  	vm8 =	vcmask $0x2F2C;
	vm9 =	vcmask $0x3330;
	v5 =	vsel vm14, $0x180, v5;
	v3 =	vld.idx.msk [tilespmem:v2+s25+$0x0], $0xffff  }
0x27: {  	vm10 =	vcmask $0x3734;
	v6 =	vunpack.c.l.s2.s4 v6;
	v5 =	vsel vm15, $0x200, v5  }
0x28: {  	v10 =	vimm.s32 $0x21043213;
	v11 =	vimm.f32 $-1.000000000e+03;
	v5 =	vsel vm4, $0x80, v5  }
0x29: {  	v12 =	vimm.s32 $0x4321040;
	v6 =	vunpack.c.l.s4.s8 v6;
	v5 =	vsel vm5, $0x100, v5;
	v7 =	vld.idx.msk [tilespmem:v2+s23+$0x0], $0xffff  }
0x2a: {  	v13 =	vimm.s32 $0x5;
	vm11 =	vcmask $0x3B38;
	v34 =	vsel vm6, $0x180, v5;
	v4 =	vld.idx.msk [tilespmem:v4+s21+$0x0], $0xffff  }
0x2b: {  	v6 =	vunpack.c.0.s8.s32 v6;
	v8 =	vsel vm7, $0x200, v34;
	v36 =	vld.msk [tilespmem:s22+$0x0], $0xffff;
	[tilespmem:$0xF00] =	vst v35;
	vm1 =	vgt.s32 v3, $0x0  }
0x2c: {  	v10 =	vunpack.c.l.s4.s8 v10;
	v8 =	vsel vm8, $0x80, v8;
	[tilespmem:$0xF80] =	vst v35;
	v3 =	vnsel vm1, $0x0, v3  }
0x2d: {  	v6 =	vand.u32 $0x3, v6;
	v8 =	vsel vm9, $0x100, v8;
	[tilespmem:$0x1000] =	vst v35;
	v3 =	vmin.u32 v3, $0x2  }
0x2e: {  	v12 =	vunpack.c.l.s4.s8 v12;
	v8 =	vsel vm10, $0x180, v8;
	[tilespmem:$0x1080] =	vst v35;
	v9 =	vperm.xlane v3, v6  }
0x2f: {  	vm13 =	vcmask $0x2304;
	v8 =	vsel vm11, $0x200, v8;
	[tilespmem:$0x1100] =	vst v35;
	v6 =	vperm.xlane v7, v6  }
0x30: {  	v10 =	vunpack.c.0.s8.s32 v10;
	vm14 =	vcmask $0x1300;
	[tilespmem:$0x1180] =	vst v35;
	v9 =	vadd.s32 v8, v9  }
0x31: {  	v12 =	vunpack.c.0.s8.s32 v12;
	v13 =	vsel vm14, $0x3, v13;
	[tilespmem:$0x1200] =	vst v35;
	vm12 =	vgt.s32 v6, $0x0  }
0x32: {  	vm15 =	vcmask $0x2714;
	v10 =	vnsel vm13, $0x0, v10;
	[tilespmem:$0x1280] =	vst v35;
	v6 =	vnsel vm12, $0x0, v6  }
0x33: {  	v38 =	vsel vm15, $0x4, v13;
	vm4 =	vcmask $0x3F24;
	[tilespmem:$0x1300] =	vst v35;
	v37 =	vmin.u32 v6, $0x9  }
0x34: {  	v10 =	vsel vm4, v12, v10;
	[tilespmem:$0x1380] =	vst v11;
	v39 =	vperm.xlane v3, v38;
	v5 =	vshll.u32 v37, $0x7  }
0x35: {  	v40 =	vlaneseq.u32;
	v6 =	vperm.xlane v7, v38;
	v5 =	vor.u32 v10, v5;
	v9 =	vld.idx.msk [tilespmem:v9+s2+$0x0], $0xffff  }
0x36: {  	v42 =	vshrl.u32 v40, $0x3;
	v41 =	vadd.s32 v8, v39  }
0x37: {  	v4 =	vperm.xlane v4, v42;
	vm5 =	vgt.s32 v6, $0x0  }
0x38: {  	v6 =	vnsel vm5, $0x0, v6  }
0x39: {  	s28 =	simm.s32 $0xF00;
	vm6 =	vgt.s32 v4, $0x0;
	v6 =	vmin.u32 v6, $0x9  }
0x3a: {  	v4 =	vnsel vm6, $0x0, v4;
	v43 =	vshll.u32 v6, $0x7;
	[tilespmem:v5+s28+$0x0] =	vst.idx.msk $0x7fff, v9  }
0x3b: {  	v45 =	vmin.u32 v4, $0x8;
	v5 =	vor.u32 v10, v43;
	v44 =	vld.idx.msk [tilespmem:v41+s2+$0x0], $0xffff  }
0x3c: {  	v7 =	vshll.u32 v45, $0x8;
	_ =	sdelay $0x1  }
0x3d: {  	v46 =	vor.u32 $0x1, v7  }
0x3e: {  	v47 =	vor.u32 $0x80, v7  }
0x3f: {  	[tilespmem:v5+s28+$0x0] =	vst.idx.msk $0x7fff, v44  }
0x40: {  	v6 =	vld.idx.msk [tilespmem:v7+s24+$0x0], $0xffff;
	v7 =	vor.u32 $0x81, v7;
	_ =	sdelay $0x1  }
0x41: {  	v9 =	vld.idx.msk [tilespmem:v46+s24+$0x0], $0xffff  }
0x42: {  	v5 =	vld.idx.msk [tilespmem:v47+s24+$0x0], $0xffff  }
0x43: {  	v48 =	vimm.s32 $0x44443210  }
0x44: {  	v10 =	vunpack.c.l.s4.s8 v48;
	v7 =	vld.idx.msk [tilespmem:v7+s24+$0x0], $0xffff;
	_ =	sdelay $0x1  }
0x45: {  	v10 =	vunpack.c.0.s8.s32 v10;
	vm7 =	vgt.s32 v6, $0x0;
	vm8 =	vgt.s32 v9, $0x0  }
0x46: {  	vm9 =	vgt.s32 v5, $0x0;
	v6 =	vnsel vm7, $0x0, v6;
	v9 =	vnsel vm8, $0x0, v9  }
0x47: {  	v5 =	vnsel vm9, $0x0, v5;
	v6 =	vmin.u32 v6, $0x9;
	v9 =	vmin.u32 v9, $0x9  }
0x48: {  	v5 =	vmin.u32 v5, $0x9;
	v6 =	vshll.u32 v6, $0x7;
	vm10 =	vgt.s32 v7, $0x0  }
0x49: {  	v9 =	vshll.u32 v9, $0x7;
	v6 =	vor.u32 v10, v6;
	v7 =	vnsel vm10, $0x0, v7  }
0x4a: {  	v5 =	vshll.u32 v5, $0x7;
	v9 =	vor.u32 v10, v9;
	v7 =	vmin.u32 v7, $0x9  }
0x4b: {  	v5 =	vor.u32 v10, v5;
	v7 =	vshll.u32 v7, $0x7  }
0x4c: {  	v7 =	vor.u32 v10, v7;
	_ =	sdelay $0x1  }
0x4d: {  	v6 =	vld.idx.msk [tilespmem:v6+s28+$0x0], $0xffff  }
0x4e: {  	v9 =	vld.idx.msk [tilespmem:v9+s28+$0x0], $0xffff  }
0x4f: {  	v5 =	vld.idx.msk [tilespmem:v5+s28+$0x0], $0xffff  }
0x50: {  	v7 =	vld.idx.msk [tilespmem:v7+s28+$0x0], $0xffff;
	_ =	sdelay $0x4  }
0x51: {  	v6 =	vadd.f32 v9, v6;
	v5 =	vadd.f32 v7, v5;
	_ =	sdelay $0x1  }
0x52: {  	v7 =	vsub.f32 v6, v5;
	_ =	sdelay $0x1  }
0x53: {  	v7 =	vand.u32 $0x7FFFFFFF, v7  }
0x54: {  	v7 =	vsub.f32 $0.0e+00, v7;
	_ =	sdelay $0x1  }
0x55: {  	v7 =	vmul.f32 $1.442695020e+00, v7;
	_ =	sdelay $0x1  }
0x56: {  	(erf) = vpow2.f32 v7;
	_ =	sdelay $0x8  }
0x57: {  	v7 =	vpop (erf)  }
0x58: {  	v49 =	vmul.f32 $2.500000000e-01, v7;
	_ =	sdelay $0x1  }
0x59: {  	v9 =	vsub.f32 $3.333333430e-01, v49;
	_ =	sdelay $0x1  }
0x5a: {  	v9 =	vmul.f32 v9, v7;
	_ =	sdelay $0x1  }
0x5b: {  	v9 =	vadd.f32 $-5.000000000e-01, v9;
	_ =	sdelay $0x1  }
0x5c: {  	v9 =	vmul.f32 v9, v7;
	_ =	sdelay $0x1  }
0x5d: {  	v9 =	vadd.f32 $1.000000000e+00, v9;
	_ =	sdelay $0x1  }
0x5e: {  	v9 =	vmul.f32 v9, v7;
	_ =	sdelay $0x1  }
0x5f: {  	v50 =	vsub.f32 $0.0e+00, v9;
	_ =	sdelay $0x1  }
0x60: {  	v11 =	vmul.f32 $1.442695020e+00, v50;
	_ =	sdelay $0x1  }
0x61: {  	(erf) = vpow2.f32 v11;
	_ =	sdelay $0x7  }
0x62: {  	v7 =	vadd.f32 $1.000000000e+00, v7  }
0x63: {  	v11 =	vpop (erf)  }
0x64: {  	v11 =	vmul.f32 v11, v7;
	_ =	sdelay $0x1  }
0x65: {  	v9 =	vadd.f32 v11, v9;
	_ =	sdelay $0x1  }
0x66: {  	v9 =	vadd.f32 $-1.000000000e+00, v9;
	_ =	sdelay $0x1  }
0x67: {  	v51 =	vsub.f32 $0.0e+00, v9;
	_ =	sdelay $0x1  }
0x68: {  	v11 =	vmul.f32 $1.442695020e+00, v51;
	_ =	sdelay $0x1  }
0x69: {  	(erf) = vpow2.f32 v11;
	_ =	sdelay $0x8  }
0x6a: {  	v11 =	vpop (erf)  }
0x6b: {  	v11 =	vmul.f32 v11, v7;
	_ =	sdelay $0x1  }
0x6c: {  	v9 =	vadd.f32 v11, v9;
	_ =	sdelay $0x1  }
0x6d: {  	v9 =	vadd.f32 $-1.000000000e+00, v9;
	_ =	sdelay $0x1  }
0x6e: {  	v52 =	vsub.f32 $0.0e+00, v9;
	_ =	sdelay $0x1  }
0x6f: {  	v11 =	vmul.f32 $1.442695020e+00, v52;
	_ =	sdelay $0x1  }
0x70: {  	(erf) = vpow2.f32 v11;
	_ =	sdelay $0x8  }
0x71: {  	v11 =	vpop (erf)  }
0x72: {  	v7 =	vmul.f32 v11, v7;
	_ =	sdelay $0x1  }
0x73: {  	v7 =	vadd.f32 v7, v9;
	_ =	sdelay $0x1  }
0x74: {  	v7 =	vadd.f32 $-1.000000000e+00, v7  }
0x75: {  	v5 =	vmax.f32 v6, v5  }
0x76: {  	v5 =	vadd.f32 v7, v5;
	_ =	sdelay $0x1  }
0x77: {  	vm11 =	vcmask $0x3320;
	v5 =	vmul.f32 $2.000000030e-01, v5  }
0x78: {  	vm0 =	vmor vm14, vm11  }
0x79: {  	v5 =	vnsel vm0, $0x0, v5  }
0x7a: {  	(xrf2) =	vadd.scan.msk.f32 $0xffff, v5;
	_ =	sdelay $0x4  }
0x7b: {  	v2 =	vperm.xlane v36, v1  }
0x7c: {  	v55 =	vimm.s32 $0x81800100  }
0x7d: {  	v53 =	vimm.s32 $0x4;
	v8 =	vunpack.c.0.s8.s32 v55;
	vm12 =	vgt.s32 v2, $0x0  }
0x7e: {  	v54 =	vmul.u32 $0x8, v42;
	vm13 =	vcmask $0xF00;
	v2 =	vnsel vm12, $0x0, v2  }
0x7f: {  	v4 =	vmin.u32 v4, $0x9;
	v8 =	vand.u32 $0xFF, v8;
	v2 =	vmin.u32 v2, $0x8  }
0x80: {  	v4 =	vshll.u32 v4, $0x7;
	v8 =	vnsel vm13, $0x81, v8;
	v2 =	vshll.u32 v2, $0x8;
	v5, _, _ =	vpop (xrf2)  }
0x81: {  	v4 =	vor.u32 v10, v4;
	v7 =	vor.u32 $0x4, v54;
	v6 =	vperm.xlane v5, v53  }
0x82: {  	vm14 =	vmmov $0xff;
	v2 =	vor.u32 v8, v2;
	v5 =	vperm.xlane v5, v7  }
0x83: {  	v6 =	vsel vm14, $0x0, v6  }
0x84: {  	v5 =	vsub.f32 v5, v6;
	_ =	sdelay $0x1  }
0x85: {  	[tilespmem:v4+s28+$0x0] =	vst.idx.msk $0xffff, v5  }
0x86: {  	v2 =	vld.idx.msk [tilespmem:v2+s24+$0x0], $0xffff;
	_ =	sdelay $0x4  }
0x87: {  	vm15 =	vgt.s32 v2, $0x0  }
0x88: {  	v2 =	vnsel vm15, $0x0, v2  }
0x89: {  	v2 =	vmin.u32 v2, $0x9  }
0x8a: {  	v1 =	vperm.xlane v2, v1  }
0x8b: {  	v56 =	vimm.s32 $0x2;
	v0 =	vperm.xlane v2, v33  }
0x8c: {  	v57 =	vimm.s32 $0x3;
	v4 =	vperm.xlane v2, v56;
	v1 =	vshll.u32 v1, $0x7  }
0x8d: {  	v2 =	vperm.xlane v2, v57;
	v0 =	vshll.u32 v0, $0x7;
	v1 =	vor.u32 v40, v1  }
0x8e: {  	v4 =	vshll.u32 v4, $0x7;
	v0 =	vor.u32 v40, v0  }
0x8f: {  	v2 =	vshll.u32 v2, $0x7;
	v4 =	vor.u32 v40, v4  }
0x90: {  	v2 =	vor.u32 v40, v2;
	_ =	sdelay $0x1  }
0x91: {  	v1 =	vld.idx.msk [tilespmem:v1+s28+$0x0], $0xffff  }
0x92: {  	v0 =	vld.idx.msk [tilespmem:v0+s28+$0x0], $0xffff  }
0x93: {  	v58 =	vld.idx.msk [tilespmem:v4+s28+$0x0], $0xffff  }
0x94: {  	v2 =	vld.idx.msk [tilespmem:v2+s28+$0x0], $0xffff;
	_ =	sdelay $0x4  }
0x95: {  	v0 =	vadd.f32 v0, v1;
	v59 =	vadd.f32 v2, v58;
	_ =	sdelay $0x1  }
0x96: {  	v2 =	vsub.f32 v0, v59;
	_ =	sdelay $0x1  }
0x97: {  	v2 =	vand.u32 $0x7FFFFFFF, v2  }
0x98: {  	v2 =	vsub.f32 $0.0e+00, v2;
	_ =	sdelay $0x1  }
0x99: {  	v2 =	vmul.f32 $1.442695020e+00, v2;
	_ =	sdelay $0x1  }
0x9a: {  	(erf) = vpow2.f32 v2;
	_ =	sdelay $0x8  }
0x9b: {  	v2 =	vpop (erf)  }
0x9c: {  	v60 =	vmul.f32 $2.500000000e-01, v2;
	_ =	sdelay $0x1  }
0x9d: {  	v3 =	vsub.f32 $3.333333430e-01, v60;
	_ =	sdelay $0x1  }
0x9e: {  	v3 =	vmul.f32 v3, v2;
	_ =	sdelay $0x1  }
0x9f: {  	v3 =	vadd.f32 $-5.000000000e-01, v3;
	_ =	sdelay $0x1  }
0xa0: {  	v3 =	vmul.f32 v3, v2;
	_ =	sdelay $0x1  }
0xa1: {  	v3 =	vadd.f32 $1.000000000e+00, v3;
	_ =	sdelay $0x1  }
0xa2: {  	v3 =	vmul.f32 v3, v2;
	_ =	sdelay $0x1  }
0xa3: {  	v61 =	vsub.f32 $0.0e+00, v3;
	_ =	sdelay $0x1  }
0xa4: {  	v4 =	vmul.f32 $1.442695020e+00, v61;
	_ =	sdelay $0x1  }
0xa5: {  	(erf) = vpow2.f32 v4;
	_ =	sdelay $0x7  }
0xa6: {  	v2 =	vadd.f32 $1.000000000e+00, v2  }
0xa7: {  	v4 =	vpop (erf)  }
0xa8: {  	v4 =	vmul.f32 v4, v2;
	_ =	sdelay $0x1  }
0xa9: {  	v3 =	vadd.f32 v4, v3;
	_ =	sdelay $0x1  }
0xaa: {  	v3 =	vadd.f32 $-1.000000000e+00, v3;
	_ =	sdelay $0x1  }
0xab: {  	v62 =	vsub.f32 $0.0e+00, v3;
	_ =	sdelay $0x1  }
0xac: {  	v4 =	vmul.f32 $1.442695020e+00, v62;
	_ =	sdelay $0x1  }
0xad: {  	(erf) = vpow2.f32 v4;
	_ =	sdelay $0x8  }
0xae: {  	v4 =	vpop (erf)  }
0xaf: {  	v4 =	vmul.f32 v4, v2;
	_ =	sdelay $0x1  }
0xb0: {  	v3 =	vadd.f32 v4, v3;
	_ =	sdelay $0x1  }
0xb1: {  	v3 =	vadd.f32 $-1.000000000e+00, v3;
	_ =	sdelay $0x1  }
0xb2: {  	v63 =	vsub.f32 $0.0e+00, v3;
	_ =	sdelay $0x1  }
0xb3: {  	v4 =	vmul.f32 $1.442695020e+00, v63;
	_ =	sdelay $0x1  }
0xb4: {  	(erf) = vpow2.f32 v4;
	_ =	sdelay $0x8  }
0xb5: {  	v4 =	vpop (erf)  }
0xb6: {  	v2 =	vmul.f32 v4, v2;
	_ =	sdelay $0x1  }
0xb7: {  	v2 =	vadd.f32 v2, v3;
	_ =	sdelay $0x1  }
0xb8: {  	v2 =	vadd.f32 $-1.000000000e+00, v2  }
0xb9: {  	v0 =	vmax.f32 v0, v59  }
0xba: {  	v0 =	vadd.f32 v2, v0;
	_ =	sdelay $0x1  }
0xbb: {  	s29 =	sadd.s32 $0xA00, s1;
	s30 =	simm.s32 $0x1700;
	s31 =	simm.s32 $0x2;
	[tilespmem:$0x1700] =	vst v0  }
0xbc: {  	[hbm4b:s29+s2] =	stream.linear.scatter [tilespmem:s30], [sflag:$0x2], $0x80, $0x38;
	[tilespmem:$0x1780] =	vst v63  }
0xbd: {  	_ =	swait.ge [sflag:s31], $0x80  }
0xbe: {  	[sflag:s31] =	ssyncset.done $0x0  }
0xbf: {  	[sflag:s31] =	ssyncadd.s32 $0xFFFFFF80  }
.LBB2_2:
0xc0: {  	_ =	sfence.sel $0x180000  }
0xc1: {  	[bflag:$0x0] =	sbarrier.arrive $0xFFFF  }
0xc2: {  	_ =	strace $0x90000047  }
0xc3: {  	s0 =	sadd.s32 @!p0 $0x100000, s0;
	[bflag:$0x2] =	sbarrier.arrive $0xFFFF  }
0xc4: {  	[sflag:s0] =	ssyncadd.tile.s32 @!p0 $0x1;
	_ =	shalt  }
.Lfunc_end2:
_tile_overlayer_lowered:
.L_overlay_start_2:
0xc5: {  	(tag) =	ssettag $0x2  }
0xc6: {  	s0 =	rddreg [dreg:$0x0];
	s2 =	stileid.u32  }
0xc7: {  	s1 =	rddreg [dreg:$0x1];
	p0 =	sne.s32 s2, $0x0  }
0xc8: {  	s3 =	rddreg [dreg:$0x2];
	[bflag:$0x3] =	sbarrier.arrive $0xFFFF;
	s2 =	simm.s32 @!p0 $0x1C02  }
0xc9: {  	[timem:s3], [sflag:s2] =	dma.local @!p0 [hbm:s0], s1  }
0xca: {  	s0 =	simm.s32 @!p0 $0x2  }
0xcb: {  	_ =	swait.ge @!p0 [sflag:s0], s1  }
0xcc: {  	s1 =	ssub.s32 @!p0 $0x0, s1;
	[sflag:s0] =	ssyncset.done @!p0 $0x0  }
0xcd: {  	[sflag:s0] =	ssyncadd.s32 @!p0 s1  }
0xce: {  	[bflag:$0x3] =	sbarrier.arrive $0xFFFF  }
0xcf: {  	_ =	shalt  }

</sc_bundles>
